<compile_context>
chip_gen: v7x
topology: tpu7x:2x2x1
jax: 0.10.2.dev20260603
libtpu: 0.0.44.dev20260713+nightly
codegen_flags: <defaults>
</compile_context>

<pallas_src>
import functools

import jax
import jax.numpy as jnp
from jax import lax
from jax.experimental import pallas as pl
from jax.experimental.pallas import tpu as pltpu
from jax.experimental.pallas import tpu_sc as plsc

N_NODES = 10000
N_EDGES = 320000
HID = 128

NC = 2
NS = 16
NW = NC * NS
GROUP = 80
G_PER_W = N_EDGES // (NW * GROUP)
N_PAD = 10240
ROWS_PER_SUB = N_PAD // NS
ZROWS = 80


def _sc_segment_sum(e, idx3d):
    mesh = plsc.VectorSubcoreMesh(core_axis_name="c", subcore_axis_name="s")

    @functools.partial(
        pl.kernel,
        mesh=mesh,
        out_type=jax.ShapeDtypeStruct((NC, N_PAD, HID), jnp.float32),
        scratch_types=[
            pltpu.VMEM((G_PER_W, GROUP), jnp.int32),
            pltpu.VMEM((GROUP, HID), jnp.float32),
            pltpu.VMEM((GROUP, HID), jnp.float32),
            pltpu.VMEM((GROUP, HID), jnp.float32),
            pltpu.VMEM_SHARED((N_PAD, HID), jnp.float32),
            pltpu.SemaphoreType.DMA,
            pltpu.SemaphoreType.DMA,
            pltpu.SemaphoreType.DMA,
            pltpu.SemaphoreType.DMA,
            pltpu.SemaphoreType.DMA,
            pltpu.SemaphoreType.DMA,
            pltpu.SemaphoreType.DMA,
        ],
    )
    def k(e_hbm, idx_hbm, out_hbm, idx_v, rows0_v, rows1_v, rows2_v,
          acc, sl0, sl1, sl2, ss0, ss1, ss2, si):
        c = lax.axis_index("c")
        s = lax.axis_index("s")
        wid = c * NS + s
        ebase = wid * G_PER_W * GROUP

        idx_cp = pltpu.async_copy(idx_hbm.at[wid], idx_v, si)
        pltpu.async_copy(e_hbm.at[pl.ds(ebase + 1 * GROUP, GROUP)],
                         rows1_v, sl1)
        pltpu.async_copy(e_hbm.at[pl.ds(ebase + 2 * GROUP, GROUP)],
                         rows2_v, sl2)

        def zrow(r, carry):
            for c16 in range(HID // 16):
                rows0_v[r, pl.ds(c16 * 16, 16)] = jnp.zeros((16,), jnp.float32)
            return carry

        lax.fori_loop(0, ZROWS, zrow, 0)

        base_row = s * ROWS_PER_SUB
        for t in range(ROWS_PER_SUB // ZROWS):
            pltpu.async_copy(rows0_v,
                             acc.at[pl.ds(base_row + t * ZROWS, ZROWS)], ss0)
        for t in range(ROWS_PER_SUB // ZROWS):
            pltpu.make_async_copy(rows0_v, acc.at[pl.ds(0, ZROWS)],
                                  ss0).wait()

        pltpu.async_copy(e_hbm.at[pl.ds(ebase, GROUP)], rows0_v, sl0)
        idx_cp.wait()
        plsc.subcore_barrier()

        bufs = [rows0_v, rows1_v, rows2_v]
        sls = [sl0, sl1, sl2]
        sss = [ss0, ss1, ss2]

        def fire_load(g, b):
            pltpu.async_copy(e_hbm.at[pl.ds(ebase + g * GROUP, GROUP)],
                             bufs[b], sls[b])

        def drain_load(b):
            pltpu.make_async_copy(
                e_hbm.at[pl.ds(0, GROUP)], bufs[b], sls[b]).wait()

        def fire_scatter(g, b):
            pltpu.async_copy(bufs[b], acc.at[idx_v.at[g]], sss[b], add=True)

        def drain_scatter(b):
            pltpu.make_async_copy(
                bufs[b], acc.at[idx_v.at[0]], sss[b]).wait()

        drain_load(0)
        fire_scatter(0, 0)

        def body(kk, carry):
            for j in range(12):
                g = 1 + 12 * kk + j
                b = (1 + j) % 3
                drain_load(b)
                fire_scatter(g, b)
                drain_scatter((b + 2) % 3)
                fire_load(g + 2, (b + 2) % 3)
            return carry

        lax.fori_loop(0, (G_PER_W - 5) // 12, body, 0)

        drain_load(1)
        fire_scatter(G_PER_W - 4, 1)
        drain_scatter(0)
        fire_load(G_PER_W - 2, 0)
        drain_load(2)
        fire_scatter(G_PER_W - 3, 2)
        drain_scatter(1)
        fire_load(G_PER_W - 1, 1)
        drain_load(0)
        fire_scatter(G_PER_W - 2, 0)
        drain_scatter(2)
        drain_load(1)
        fire_scatter(G_PER_W - 1, 1)
        drain_scatter(0)
        drain_scatter(1)
        plsc.subcore_barrier()

        pltpu.sync_copy(
            acc.at[pl.ds(base_row, ROWS_PER_SUB)],
            out_hbm.at[c, pl.ds(base_row, ROWS_PER_SUB)],
        )

    return k(e, idx3d)


_LOG2 = 0.6931471805599453
_BLK = 1000


def _mlp_body(p_ref, v_ref, w1_ref, b1_ref, w2_ref, b2_ref, o_ref):
    x = p_ref[0] + p_ref[1]
    dn = (((1,), (1,)), ((), ()))
    h = lax.dot_general(x, w1_ref[...], dn,
                        preferred_element_type=jnp.float32) + b1_ref[...]
    h = jnp.maximum(h, 0.0) + jnp.log1p(jnp.exp(-jnp.abs(h))) - _LOG2
    y = lax.dot_general(h, w2_ref[...], dn,
                        preferred_element_type=jnp.float32) + b2_ref[...]
    o_ref[...] = v_ref[...] + y


def _tc_mlp(partial, v, w1, b1, w2, b2):
    n = v.shape[0]
    grid = (n // _BLK,)
    p_spec = pl.BlockSpec((NC, _BLK, HID), lambda i: (0, i, 0))
    row_spec = pl.BlockSpec((_BLK, HID), lambda i: (i, 0))
    full_spec = pl.BlockSpec((HID, HID), lambda i: (0, 0))
    bias_spec = pl.BlockSpec((1, HID), lambda i: (0, 0))
    return pl.pallas_call(
        _mlp_body,
        grid=grid,
        in_specs=[p_spec, row_spec, full_spec, bias_spec,
                  full_spec, bias_spec],
        out_specs=row_spec,
        out_shape=jax.ShapeDtypeStruct((n, HID), jnp.float32),
    )(partial, v, w1, b1, w2, b2)


def kernel(v, e, edge_index, W1, b1, W2, b2):
    idx3d = edge_index[1].reshape(NW, G_PER_W, GROUP)
    partial = _sc_segment_sum(e, idx3d)
    return _tc_mlp(partial, v, W1, b1.reshape(1, HID), W2, b2.reshape(1, HID))

# --- scband reference (transcript-rebuilt; emitter-appended) ---
"""Pipeline reference for scband-update-v-87840671137924 (READ-ONLY COPY).

The authoritative reference and input builder live on the scoring server;
editing this copy changes nothing except your own understanding.
"""

import jax, jax.numpy as jnp
import numpy as np

N_NODES = 10000
N_EDGES = 320000
NUM_FILTERS = 128
HIDDEN = 128


def _xavier(key, shape):
    fan_out, fan_in = shape
    limit = float(np.sqrt(6.0 / (fan_in + fan_out)))
    return jax.random.uniform(key, shape, dtype=jnp.float32, minval=-limit, maxval=limit)


def setup_inputs(seed: int = 0) -> dict:
    key = jax.random.key(seed)
    k1, k2, k3, k4, k5 = jax.random.split(key, 5)
    v = jax.random.normal(k1, (N_NODES, HIDDEN), dtype=jnp.float32)
    e = jax.random.normal(k2, (N_EDGES, NUM_FILTERS), dtype=jnp.float32)
    edge_index = jax.random.randint(k3, (2, N_EDGES), 0, N_NODES, dtype=jnp.int32)
    # MetaLinearLayer params: weights shaped [out_features, in_features], bias [out_features]
    W1 = _xavier(k4, (HIDDEN, NUM_FILTERS))
    b1 = jnp.zeros((HIDDEN,), dtype=jnp.float32)
    W2 = _xavier(k5, (HIDDEN, HIDDEN))
    b2 = jnp.zeros((HIDDEN,), dtype=jnp.float32)
    return {"v": v, "e": e, "edge_index": edge_index, "W1": W1, "b1": b1, "W2": W2, "b2": b2}


def reference(v, e, edge_index, W1, b1, W2, b2):
    shift = jnp.log(jnp.float32(2.0))
    # _, i = edge_index ; scatter-add e over destination nodes
    i = edge_index[1]
    out = jax.ops.segment_sum(e, i, num_segments=v.shape[0])
    # lin1
    out = out @ W1.T + b1
    # ShiftedSoftplus
    out = jax.nn.softplus(out) - shift
    # lin2
    out = out @ W2.T + b2
    return v + out

if __name__ == "__main__":
    import jax
    _d = setup_inputs()
    print(jax.jit(kernel)(*tuple(_d.values())))

</pallas_src>

<mosaic_0001>
#map = affine_map<(d0, d1) -> (0, 0)>
#map1 = affine_map<(d0, d1) -> (0, 0, 0)>
module attributes {stable_mosaic.version = 14 : i64} {
  func.func @k(%arg0: i32, %arg1: i32, %arg2: memref<320000x128xf32, #tpu.memory_space<hbm>>, %arg3: memref<32x125x80xi32, #tpu.memory_space<hbm>>, %arg4: memref<2x10240x128xf32, #tpu.memory_space<hbm>>, %arg5: memref<125x80xi32, #tpu.memory_space<vmem>>, %arg6: memref<80x128xf32, #tpu.memory_space<vmem>>, %arg7: memref<80x128xf32, #tpu.memory_space<vmem>>, %arg8: memref<80x128xf32, #tpu.memory_space<vmem>>, %arg9: memref<10240x128xf32, #tpu.memory_space<vmem_shared>>, %arg10: memref<!tpu.dma_semaphore, #tpu.memory_space<semaphore_mem>>, %arg11: memref<!tpu.dma_semaphore, #tpu.memory_space<semaphore_mem>>, %arg12: memref<!tpu.dma_semaphore, #tpu.memory_space<semaphore_mem>>, %arg13: memref<!tpu.dma_semaphore, #tpu.memory_space<semaphore_mem>>, %arg14: memref<!tpu.dma_semaphore, #tpu.memory_space<semaphore_mem>>, %arg15: memref<!tpu.dma_semaphore, #tpu.memory_space<semaphore_mem>>, %arg16: memref<!tpu.dma_semaphore, #tpu.memory_space<semaphore_mem>>) attributes {dimension_semantics = [#tpu.dimension_semantics<core_parallel>, #tpu.dimension_semantics<subcore_parallel>], iteration_bounds = array<i64: 2, 16>, scalar_prefetch = 0 : i64, scratch_operands = 12 : i64, tpu.core_type = #tpu.core_type<sc_vector_subcore>, window_params = [{transform_indices = #map}, {transform_indices = #map1}, {transform_indices = #map1}]} {
    %mul3A = arith.constant 16 : i32
    %mul3A_0 = arith.muli %arg0, %mul3A : i32
    %add3A = arith.addi %mul3A_0, %arg1 : i32
    %mul3A_1 = arith.constant 125 : i32
    %mul3A_2 = arith.muli %add3A, %mul3A_1 : i32
    %mul3A_3 = arith.constant 80 : i32
    %mul3A_4 = arith.muli %mul3A_2, %mul3A_3 : i32
    %dma_start3A = arith.constant 0 : i32
    %dma_start3A_5 = arith.constant 0 : i32
    %dma_start3A_6 = tpu.memref_slice %arg3[%add3A, %dma_start3A, %dma_start3A_5] : memref<32x125x80xi32, #tpu.memory_space<hbm>> -> memref<1x125x80xi32, #tpu.memory_space<hbm>>
    %dma_start3A_7 = tpu.memref_squeeze %dma_start3A_6 : memref<1x125x80xi32, #tpu.memory_space<hbm>> -> memref<125x80xi32, #tpu.memory_space<hbm>>
    %dma_start3A_8 = arith.constant 0 : i32
    %dma_start3A_9 = arith.constant 0 : i32
    %dma_start3A_10 = tpu.memref_slice %arg3[%add3A, %dma_start3A_8, %dma_start3A_9] : memref<32x125x80xi32, #tpu.memory_space<hbm>> -> memref<1x125x80xi32, #tpu.memory_space<hbm>>
    %dma_start3A_11 = tpu.memref_squeeze %dma_start3A_10 : memref<1x125x80xi32, #tpu.memory_space<hbm>> -> memref<125x80xi32, #tpu.memory_space<hbm>>
    tpu.enqueue_dma source(%dma_start3A_11 : memref<125x80xi32, #tpu.memory_space<hbm>>) target(%arg5 : memref<125x80xi32, #tpu.memory_space<vmem>>) target_semaphore(%arg16 : memref<!tpu.dma_semaphore, #tpu.memory_space<semaphore_mem>>)
    %add3A_12 = arith.constant 80 : i32
    %add3A_13 = arith.addi %mul3A_4, %add3A_12 : i32
    %dma_start3A_14 = arith.constant 0 : i32
    %dma_start3A_15 = tpu.memref_slice %arg2[%add3A_13, %dma_start3A_14] : memref<320000x128xf32, #tpu.memory_space<hbm>> -> memref<80x128xf32, #tpu.memory_space<hbm>>
    %dma_start3A_16 = arith.constant 0 : i32
    %dma_start3A_17 = tpu.memref_slice %arg2[%add3A_13, %dma_start3A_16] : memref<320000x128xf32, #tpu.memory_space<hbm>> -> memref<80x128xf32, #tpu.memory_space<hbm>>
    tpu.enqueue_dma source(%dma_start3A_17 : memref<80x128xf32, #tpu.memory_space<hbm>>) target(%arg7 : memref<80x128xf32, #tpu.memory_space<vmem>>) target_semaphore(%arg11 : memref<!tpu.dma_semaphore, #tpu.memory_space<semaphore_mem>>)
    %add3A_18 = arith.constant 160 : i32
    %add3A_19 = arith.addi %mul3A_4, %add3A_18 : i32
    %dma_start3A_20 = arith.constant 0 : i32
    %dma_start3A_21 = tpu.memref_slice %arg2[%add3A_19, %dma_start3A_20] : memref<320000x128xf32, #tpu.memory_space<hbm>> -> memref<80x128xf32, #tpu.memory_space<hbm>>
    %dma_start3A_22 = arith.constant 0 : i32
    %dma_start3A_23 = tpu.memref_slice %arg2[%add3A_19, %dma_start3A_22] : memref<320000x128xf32, #tpu.memory_space<hbm>> -> memref<80x128xf32, #tpu.memory_space<hbm>>
    tpu.enqueue_dma source(%dma_start3A_23 : memref<80x128xf32, #tpu.memory_space<hbm>>) target(%arg8 : memref<80x128xf32, #tpu.memory_space<vmem>>) target_semaphore(%arg12 : memref<!tpu.dma_semaphore, #tpu.memory_space<semaphore_mem>>)
    %scan3A = arith.constant 0 : i32
    %scan3A_24 = arith.constant 0 : i32
    %scan3A_25 = arith.constant 80 : i32
    %scan3A_26 = arith.addi %scan3A_24, %scan3A_25 : i32
    %scan3A_27 = arith.constant 1 : i32
    scf.for %scan3A_257 = %scan3A_24 to %scan3A_26 step %scan3A_27  : i32 {
      %broadcast_in_dim3A = arith.constant 0.000000e+00 : f32
      %broadcast_in_dim3A_258 = vector.broadcast %broadcast_in_dim3A : f32 to vector<16xf32>
      %swap3A = arith.index_cast %scan3A_257 : i32 to index
      %swap3A_259 = arith.constant 0 : index
      %swap3A_260 = tpu.vector_load %arg6[%swap3A, %swap3A_259] {strides = array<i32>} : memref<80x128xf32, #tpu.memory_space<vmem>>, vector<1x16xf32>,
      %swap3A_261 = vector.shape_cast %swap3A_260 : vector<1x16xf32> to vector<16xf32>
      %swap3A_262 = vector.shape_cast %broadcast_in_dim3A_258 : vector<16xf32> to vector<1x16xf32>
      tpu.vector_store %arg6[%swap3A, %swap3A_259], %swap3A_262 {strides = array<i32>} : memref<80x128xf32, #tpu.memory_space<vmem>>, vector<1x16xf32>,
      %broadcast_in_dim3A_263 = arith.constant 0.000000e+00 : f32
      %broadcast_in_dim3A_264 = vector.broadcast %broadcast_in_dim3A_263 : f32 to vector<16xf32>
      %swap3A_265 = arith.index_cast %scan3A_257 : i32 to index
      %swap3A_266 = arith.constant 16 : index
      %swap3A_267 = tpu.vector_load %arg6[%swap3A_265, %swap3A_266] {strides = array<i32>} : memref<80x128xf32, #tpu.memory_space<vmem>>, vector<1x16xf32>,
      %swap3A_268 = vector.shape_cast %swap3A_267 : vector<1x16xf32> to vector<16xf32>
      %swap3A_269 = vector.shape_cast %broadcast_in_dim3A_264 : vector<16xf32> to vector<1x16xf32>
      tpu.vector_store %arg6[%swap3A_265, %swap3A_266], %swap3A_269 {strides = array<i32>} : memref<80x128xf32, #tpu.memory_space<vmem>>, vector<1x16xf32>,
      %broadcast_in_dim3A_270 = arith.constant 0.000000e+00 : f32
      %broadcast_in_dim3A_271 = vector.broadcast %broadcast_in_dim3A_270 : f32 to vector<16xf32>
      %swap3A_272 = arith.index_cast %scan3A_257 : i32 to index
      %swap3A_273 = arith.constant 32 : index
      %swap3A_274 = tpu.vector_load %arg6[%swap3A_272, %swap3A_273] {strides = array<i32>} : memref<80x128xf32, #tpu.memory_space<vmem>>, vector<1x16xf32>,
      %swap3A_275 = vector.shape_cast %swap3A_274 : vector<1x16xf32> to vector<16xf32>
      %swap3A_276 = vector.shape_cast %broadcast_in_dim3A_271 : vector<16xf32> to vector<1x16xf32>
      tpu.vector_store %arg6[%swap3A_272, %swap3A_273], %swap3A_276 {strides = array<i32>} : memref<80x128xf32, #tpu.memory_space<vmem>>, vector<1x16xf32>,
      %broadcast_in_dim3A_277 = arith.constant 0.000000e+00 : f32
      %broadcast_in_dim3A_278 = vector.broadcast %broadcast_in_dim3A_277 : f32 to vector<16xf32>
      %swap3A_279 = arith.index_cast %scan3A_257 : i32 to index
      %swap3A_280 = arith.constant 48 : index
      %swap3A_281 = tpu.vector_load %arg6[%swap3A_279, %swap3A_280] {strides = array<i32>} : memref<80x128xf32, #tpu.memory_space<vmem>>, vector<1x16xf32>,
      %swap3A_282 = vector.shape_cast %swap3A_281 : vector<1x16xf32> to vector<16xf32>
      %swap3A_283 = vector.shape_cast %broadcast_in_dim3A_278 : vector<16xf32> to vector<1x16xf32>
      tpu.vector_store %arg6[%swap3A_279, %swap3A_280], %swap3A_283 {strides = array<i32>} : memref<80x128xf32, #tpu.memory_space<vmem>>, vector<1x16xf32>,
      %broadcast_in_dim3A_284 = arith.constant 0.000000e+00 : f32
      %broadcast_in_dim3A_285 = vector.broadcast %broadcast_in_dim3A_284 : f32 to vector<16xf32>
      %swap3A_286 = arith.index_cast %scan3A_257 : i32 to index
      %swap3A_287 = arith.constant 64 : index
      %swap3A_288 = tpu.vector_load %arg6[%swap3A_286, %swap3A_287] {strides = array<i32>} : memref<80x128xf32, #tpu.memory_space<vmem>>, vector<1x16xf32>,
      %swap3A_289 = vector.shape_cast %swap3A_288 : vector<1x16xf32> to vector<16xf32>
      %swap3A_290 = vector.shape_cast %broadcast_in_dim3A_285 : vector<16xf32> to vector<1x16xf32>
      tpu.vector_store %arg6[%swap3A_286, %swap3A_287], %swap3A_290 {strides = array<i32>} : memref<80x128xf32, #tpu.memory_space<vmem>>, vector<1x16xf32>,
      %broadcast_in_dim3A_291 = arith.constant 0.000000e+00 : f32
      %broadcast_in_dim3A_292 = vector.broadcast %broadcast_in_dim3A_291 : f32 to vector<16xf32>
      %swap3A_293 = arith.index_cast %scan3A_257 : i32 to index
      %swap3A_294 = arith.constant 80 : index
      %swap3A_295 = tpu.vector_load %arg6[%swap3A_293, %swap3A_294] {strides = array<i32>} : memref<80x128xf32, #tpu.memory_space<vmem>>, vector<1x16xf32>,
      %swap3A_296 = vector.shape_cast %swap3A_295 : vector<1x16xf32> to vector<16xf32>
      %swap3A_297 = vector.shape_cast %broadcast_in_dim3A_292 : vector<16xf32> to vector<1x16xf32>
      tpu.vector_store %arg6[%swap3A_293, %swap3A_294], %swap3A_297 {strides = array<i32>} : memref<80x128xf32, #tpu.memory_space<vmem>>, vector<1x16xf32>,
      %broadcast_in_dim3A_298 = arith.constant 0.000000e+00 : f32
      %broadcast_in_dim3A_299 = vector.broadcast %broadcast_in_dim3A_298 : f32 to vector<16xf32>
      %swap3A_300 = arith.index_cast %scan3A_257 : i32 to index
      %swap3A_301 = arith.constant 96 : index
      %swap3A_302 = tpu.vector_load %arg6[%swap3A_300, %swap3A_301] {strides = array<i32>} : memref<80x128xf32, #tpu.memory_space<vmem>>, vector<1x16xf32>,
      %swap3A_303 = vector.shape_cast %swap3A_302 : vector<1x16xf32> to vector<16xf32>
      %swap3A_304 = vector.shape_cast %broadcast_in_dim3A_299 : vector<16xf32> to vector<1x16xf32>
      tpu.vector_store %arg6[%swap3A_300, %swap3A_301], %swap3A_304 {strides = array<i32>} : memref<80x128xf32, #tpu.memory_space<vmem>>, vector<1x16xf32>,
      %broadcast_in_dim3A_305 = arith.constant 0.000000e+00 : f32
      %broadcast_in_dim3A_306 = vector.broadcast %broadcast_in_dim3A_305 : f32 to vector<16xf32>
      %swap3A_307 = arith.index_cast %scan3A_257 : i32 to index
      %swap3A_308 = arith.constant 112 : index
      %swap3A_309 = tpu.vector_load %arg6[%swap3A_307, %swap3A_308] {strides = array<i32>} : memref<80x128xf32, #tpu.memory_space<vmem>>, vector<1x16xf32>,
      %swap3A_310 = vector.shape_cast %swap3A_309 : vector<1x16xf32> to vector<16xf32>
      %swap3A_311 = vector.shape_cast %broadcast_in_dim3A_306 : vector<16xf32> to vector<1x16xf32>
      tpu.vector_store %arg6[%swap3A_307, %swap3A_308], %swap3A_311 {strides = array<i32>} : memref<80x128xf32, #tpu.memory_space<vmem>>, vector<1x16xf32>,
    }
    %scan3A_28 = arith.constant 80 : i32
    %mul3A_29 = arith.constant 640 : i32
    %mul3A_30 = arith.muli %arg1, %mul3A_29 : i32
    %add3A_31 = arith.constant 0 : i32
    %add3A_32 = arith.addi %mul3A_30, %add3A_31 : i32
    %dma_start3A_33 = arith.constant 0 : i32
    %dma_start3A_34 = tpu.memref_slice %arg9[%add3A_32, %dma_start3A_33] : memref<10240x128xf32, #tpu.memory_space<vmem_shared>> -> memref<80x128xf32, #tpu.memory_space<vmem_shared>>
    %dma_start3A_35 = arith.constant 0 : i32
    %dma_start3A_36 = tpu.memref_slice %arg9[%add3A_32, %dma_start3A_35] : memref<10240x128xf32, #tpu.memory_space<vmem_shared>> -> memref<80x128xf32, #tpu.memory_space<vmem_shared>>
    tpu.enqueue_dma source(%arg6 : memref<80x128xf32, #tpu.memory_space<vmem>>) target(%dma_start3A_36 : memref<80x128xf32, #tpu.memory_space<vmem_shared>>) target_semaphore(%arg13 : memref<!tpu.dma_semaphore, #tpu.memory_space<semaphore_mem>>)
    %add3A_37 = arith.constant 80 : i32
    %add3A_38 = arith.addi %mul3A_30, %add3A_37 : i32
    %dma_start3A_39 = arith.constant 0 : i32
    %dma_start3A_40 = tpu.memref_slice %arg9[%add3A_38, %dma_start3A_39] : memref<10240x128xf32, #tpu.memory_space<vmem_shared>> -> memref<80x128xf32, #tpu.memory_space<vmem_shared>>
    %dma_start3A_41 = arith.constant 0 : i32
    %dma_start3A_42 = tpu.memref_slice %arg9[%add3A_38, %dma_start3A_41] : memref<10240x128xf32, #tpu.memory_space<vmem_shared>> -> memref<80x128xf32, #tpu.memory_space<vmem_shared>>
    tpu.enqueue_dma source(%arg6 : memref<80x128xf32, #tpu.memory_space<vmem>>) target(%dma_start3A_42 : memref<80x128xf32, #tpu.memory_space<vmem_shared>>) target_semaphore(%arg13 : memref<!tpu.dma_semaphore, #tpu.memory_space<semaphore_mem>>)
    %add3A_43 = arith.constant 160 : i32
    %add3A_44 = arith.addi %mul3A_30, %add3A_43 : i32
    %dma_start3A_45 = arith.constant 0 : i32
    %dma_start3A_46 = tpu.memref_slice %arg9[%add3A_44, %dma_start3A_45] : memref<10240x128xf32, #tpu.memory_space<vmem_shared>> -> memref<80x128xf32, #tpu.memory_space<vmem_shared>>
    %dma_start3A_47 = arith.constant 0 : i32
    %dma_start3A_48 = tpu.memref_slice %arg9[%add3A_44, %dma_start3A_47] : memref<10240x128xf32, #tpu.memory_space<vmem_shared>> -> memref<80x128xf32, #tpu.memory_space<vmem_shared>>
    tpu.enqueue_dma source(%arg6 : memref<80x128xf32, #tpu.memory_space<vmem>>) target(%dma_start3A_48 : memref<80x128xf32, #tpu.memory_space<vmem_shared>>) target_semaphore(%arg13 : memref<!tpu.dma_semaphore, #tpu.memory_space<semaphore_mem>>)
    %add3A_49 = arith.constant 240 : i32
    %add3A_50 = arith.addi %mul3A_30, %add3A_49 : i32
    %dma_start3A_51 = arith.constant 0 : i32
    %dma_start3A_52 = tpu.memref_slice %arg9[%add3A_50, %dma_start3A_51] : memref<10240x128xf32, #tpu.memory_space<vmem_shared>> -> memref<80x128xf32, #tpu.memory_space<vmem_shared>>
    %dma_start3A_53 = arith.constant 0 : i32
    %dma_start3A_54 = tpu.memref_slice %arg9[%add3A_50, %dma_start3A_53] : memref<10240x128xf32, #tpu.memory_space<vmem_shared>> -> memref<80x128xf32, #tpu.memory_space<vmem_shared>>
    tpu.enqueue_dma source(%arg6 : memref<80x128xf32, #tpu.memory_space<vmem>>) target(%dma_start3A_54 : memref<80x128xf32, #tpu.memory_space<vmem_shared>>) target_semaphore(%arg13 : memref<!tpu.dma_semaphore, #tpu.memory_space<semaphore_mem>>)
    %add3A_55 = arith.constant 320 : i32
    %add3A_56 = arith.addi %mul3A_30, %add3A_55 : i32
    %dma_start3A_57 = arith.constant 0 : i32
    %dma_start3A_58 = tpu.memref_slice %arg9[%add3A_56, %dma_start3A_57] : memref<10240x128xf32, #tpu.memory_space<vmem_shared>> -> memref<80x128xf32, #tpu.memory_space<vmem_shared>>
    %dma_start3A_59 = arith.constant 0 : i32
    %dma_start3A_60 = tpu.memref_slice %arg9[%add3A_56, %dma_start3A_59] : memref<10240x128xf32, #tpu.memory_space<vmem_shared>> -> memref<80x128xf32, #tpu.memory_space<vmem_shared>>
    tpu.enqueue_dma source(%arg6 : memref<80x128xf32, #tpu.memory_space<vmem>>) target(%dma_start3A_60 : memref<80x128xf32, #tpu.memory_space<vmem_shared>>) target_semaphore(%arg13 : memref<!tpu.dma_semaphore, #tpu.memory_space<semaphore_mem>>)
    %add3A_61 = arith.constant 400 : i32
    %add3A_62 = arith.addi %mul3A_30, %add3A_61 : i32
    %dma_start3A_63 = arith.constant 0 : i32
    %dma_start3A_64 = tpu.memref_slice %arg9[%add3A_62, %dma_start3A_63] : memref<10240x128xf32, #tpu.memory_space<vmem_shared>> -> memref<80x128xf32, #tpu.memory_space<vmem_shared>>
    %dma_start3A_65 = arith.constant 0 : i32
    %dma_start3A_66 = tpu.memref_slice %arg9[%add3A_62, %dma_start3A_65] : memref<10240x128xf32, #tpu.memory_space<vmem_shared>> -> memref<80x128xf32, #tpu.memory_space<vmem_shared>>
    tpu.enqueue_dma source(%arg6 : memref<80x128xf32, #tpu.memory_space<vmem>>) target(%dma_start3A_66 : memref<80x128xf32, #tpu.memory_space<vmem_shared>>) target_semaphore(%arg13 : memref<!tpu.dma_semaphore, #tpu.memory_space<semaphore_mem>>)
    %add3A_67 = arith.constant 480 : i32
    %add3A_68 = arith.addi %mul3A_30, %add3A_67 : i32
    %dma_start3A_69 = arith.constant 0 : i32
    %dma_start3A_70 = tpu.memref_slice %arg9[%add3A_68, %dma_start3A_69] : memref<10240x128xf32, #tpu.memory_space<vmem_shared>> -> memref<80x128xf32, #tpu.memory_space<vmem_shared>>
    %dma_start3A_71 = arith.constant 0 : i32
    %dma_start3A_72 = tpu.memref_slice %arg9[%add3A_68, %dma_start3A_71] : memref<10240x128xf32, #tpu.memory_space<vmem_shared>> -> memref<80x128xf32, #tpu.memory_space<vmem_shared>>
    tpu.enqueue_dma source(%arg6 : memref<80x128xf32, #tpu.memory_space<vmem>>) target(%dma_start3A_72 : memref<80x128xf32, #tpu.memory_space<vmem_shared>>) target_semaphore(%arg13 : memref<!tpu.dma_semaphore, #tpu.memory_space<semaphore_mem>>)
    %add3A_73 = arith.constant 560 : i32
    %add3A_74 = arith.addi %mul3A_30, %add3A_73 : i32
    %dma_start3A_75 = arith.constant 0 : i32
    %dma_start3A_76 = tpu.memref_slice %arg9[%add3A_74, %dma_start3A_75] : memref<10240x128xf32, #tpu.memory_space<vmem_shared>> -> memref<80x128xf32, #tpu.memory_space<vmem_shared>>
    %dma_start3A_77 = arith.constant 0 : i32
    %dma_start3A_78 = tpu.memref_slice %arg9[%add3A_74, %dma_start3A_77] : memref<10240x128xf32, #tpu.memory_space<vmem_shared>> -> memref<80x128xf32, #tpu.memory_space<vmem_shared>>
    tpu.enqueue_dma source(%arg6 : memref<80x128xf32, #tpu.memory_space<vmem>>) target(%dma_start3A_78 : memref<80x128xf32, #tpu.memory_space<vmem_shared>>) target_semaphore(%arg13 : memref<!tpu.dma_semaphore, #tpu.memory_space<semaphore_mem>>)
    %dma_wait3A = arith.constant 0 : i32
    %dma_wait3A_79 = arith.constant 0 : i32
    %dma_wait3A_80 = tpu.memref_slice %arg9[%dma_wait3A, %dma_wait3A_79] : memref<10240x128xf32, #tpu.memory_space<vmem_shared>> -> memref<80x128xf32, #tpu.memory_space<vmem_shared>>
    %dma_wait3A_81 = arith.constant 0 : i32
    %dma_wait3A_82 = arith.constant 0 : i32
    %dma_wait3A_83 = tpu.memref_slice %arg9[%dma_wait3A_81, %dma_wait3A_82] : memref<10240x128xf32, #tpu.memory_space<vmem_shared>> -> memref<80x128xf32, #tpu.memory_space<vmem_shared>>
    tpu.wait_dma2 semaphore(%arg13 : memref<!tpu.dma_semaphore, #tpu.memory_space<semaphore_mem>>) src(%arg6 : memref<80x128xf32, #tpu.memory_space<vmem>>) dst(%dma_wait3A_83 : memref<80x128xf32, #tpu.memory_space<vmem_shared>>)
    %dma_wait3A_84 = arith.constant 0 : i32
    %dma_wait3A_85 = arith.constant 0 : i32
    %dma_wait3A_86 = tpu.memref_slice %arg9[%dma_wait3A_84, %dma_wait3A_85] : memref<10240x128xf32, #tpu.memory_space<vmem_shared>> -> memref<80x128xf32, #tpu.memory_space<vmem_shared>>
    %dma_wait3A_87 = arith.constant 0 : i32
    %dma_wait3A_88 = arith.constant 0 : i32
    %dma_wait3A_89 = tpu.memref_slice %arg9[%dma_wait3A_87, %dma_wait3A_88] : memref<10240x128xf32, #tpu.memory_space<vmem_shared>> -> memref<80x128xf32, #tpu.memory_space<vmem_shared>>
    tpu.wait_dma2 semaphore(%arg13 : memref<!tpu.dma_semaphore, #tpu.memory_space<semaphore_mem>>) src(%arg6 : memref<80x128xf32, #tpu.memory_space<vmem>>) dst(%dma_wait3A_89 : memref<80x128xf32, #tpu.memory_space<vmem_shared>>)
    %dma_wait3A_90 = arith.constant 0 : i32
    %dma_wait3A_91 = arith.constant 0 : i32
    %dma_wait3A_92 = tpu.memref_slice %arg9[%dma_wait3A_90, %dma_wait3A_91] : memref<10240x128xf32, #tpu.memory_space<vmem_shared>> -> memref<80x128xf32, #tpu.memory_space<vmem_shared>>
    %dma_wait3A_93 = arith.constant 0 : i32
    %dma_wait3A_94 = arith.constant 0 : i32
    %dma_wait3A_95 = tpu.memref_slice %arg9[%dma_wait3A_93, %dma_wait3A_94] : memref<10240x128xf32, #tpu.memory_space<vmem_shared>> -> memref<80x128xf32, #tpu.memory_space<vmem_shared>>
    tpu.wait_dma2 semaphore(%arg13 : memref<!tpu.dma_semaphore, #tpu.memory_space<semaphore_mem>>) src(%arg6 : memref<80x128xf32, #tpu.memory_space<vmem>>) dst(%dma_wait3A_95 : memref<80x128xf32, #tpu.memory_space<vmem_shared>>)
    %dma_wait3A_96 = arith.constant 0 : i32
    %dma_wait3A_97 = arith.constant 0 : i32
    %dma_wait3A_98 = tpu.memref_slice %arg9[%dma_wait3A_96, %dma_wait3A_97] : memref<10240x128xf32, #tpu.memory_space<vmem_shared>> -> memref<80x128xf32, #tpu.memory_space<vmem_shared>>
    %dma_wait3A_99 = arith.constant 0 : i32
    %dma_wait3A_100 = arith.constant 0 : i32
    %dma_wait3A_101 = tpu.memref_slice %arg9[%dma_wait3A_99, %dma_wait3A_100] : memref<10240x128xf32, #tpu.memory_space<vmem_shared>> -> memref<80x128xf32, #tpu.memory_space<vmem_shared>>
    tpu.wait_dma2 semaphore(%arg13 : memref<!tpu.dma_semaphore, #tpu.memory_space<semaphore_mem>>) src(%arg6 : memref<80x128xf32, #tpu.memory_space<vmem>>) dst(%dma_wait3A_101 : memref<80x128xf32, #tpu.memory_space<vmem_shared>>)
    %dma_wait3A_102 = arith.constant 0 : i32
    %dma_wait3A_103 = arith.constant 0 : i32
    %dma_wait3A_104 = tpu.memref_slice %arg9[%dma_wait3A_102, %dma_wait3A_103] : memref<10240x128xf32, #tpu.memory_space<vmem_shared>> -> memref<80x128xf32, #tpu.memory_space<vmem_shared>>
    %dma_wait3A_105 = arith.constant 0 : i32
    %dma_wait3A_106 = arith.constant 0 : i32
    %dma_wait3A_107 = tpu.memref_slice %arg9[%dma_wait3A_105, %dma_wait3A_106] : memref<10240x128xf32, #tpu.memory_space<vmem_shared>> -> memref<80x128xf32, #tpu.memory_space<vmem_shared>>
    tpu.wait_dma2 semaphore(%arg13 : memref<!tpu.dma_semaphore, #tpu.memory_space<semaphore_mem>>) src(%arg6 : memref<80x128xf32, #tpu.memory_space<vmem>>) dst(%dma_wait3A_107 : memref<80x128xf32, #tpu.memory_space<vmem_shared>>)
    %dma_wait3A_108 = arith.constant 0 : i32
    %dma_wait3A_109 = arith.constant 0 : i32
    %dma_wait3A_110 = tpu.memref_slice %arg9[%dma_wait3A_108, %dma_wait3A_109] : memref<10240x128xf32, #tpu.memory_space<vmem_shared>> -> memref<80x128xf32, #tpu.memory_space<vmem_shared>>
    %dma_wait3A_111 = arith.constant 0 : i32
    %dma_wait3A_112 = arith.constant 0 : i32
    %dma_wait3A_113 = tpu.memref_slice %arg9[%dma_wait3A_111, %dma_wait3A_112] : memref<10240x128xf32, #tpu.memory_space<vmem_shared>> -> memref<80x128xf32, #tpu.memory_space<vmem_shared>>
    tpu.wait_dma2 semaphore(%arg13 : memref<!tpu.dma_semaphore, #tpu.memory_space<semaphore_mem>>) src(%arg6 : memref<80x128xf32, #tpu.memory_space<vmem>>) dst(%dma_wait3A_113 : memref<80x128xf32, #tpu.memory_space<vmem_shared>>)
    %dma_wait3A_114 = arith.constant 0 : i32
    %dma_wait3A_115 = arith.constant 0 : i32
    %dma_wait3A_116 = tpu.memref_slice %arg9[%dma_wait3A_114, %dma_wait3A_115] : memref<10240x128xf32, #tpu.memory_space<vmem_shared>> -> memref<80x128xf32, #tpu.memory_space<vmem_shared>>
    %dma_wait3A_117 = arith.constant 0 : i32
    %dma_wait3A_118 = arith.constant 0 : i32
    %dma_wait3A_119 = tpu.memref_slice %arg9[%dma_wait3A_117, %dma_wait3A_118] : memref<10240x128xf32, #tpu.memory_space<vmem_shared>> -> memref<80x128xf32, #tpu.memory_space<vmem_shared>>
    tpu.wait_dma2 semaphore(%arg13 : memref<!tpu.dma_semaphore, #tpu.memory_space<semaphore_mem>>) src(%arg6 : memref<80x128xf32, #tpu.memory_space<vmem>>) dst(%dma_wait3A_119 : memref<80x128xf32, #tpu.memory_space<vmem_shared>>)
    %dma_wait3A_120 = arith.constant 0 : i32
    %dma_wait3A_121 = arith.constant 0 : i32
    %dma_wait3A_122 = tpu.memref_slice %arg9[%dma_wait3A_120, %dma_wait3A_121] : memref<10240x128xf32, #tpu.memory_space<vmem_shared>> -> memref<80x128xf32, #tpu.memory_space<vmem_shared>>
    %dma_wait3A_123 = arith.constant 0 : i32
    %dma_wait3A_124 = arith.constant 0 : i32
    %dma_wait3A_125 = tpu.memref_slice %arg9[%dma_wait3A_123, %dma_wait3A_124] : memref<10240x128xf32, #tpu.memory_space<vmem_shared>> -> memref<80x128xf32, #tpu.memory_space<vmem_shared>>
    tpu.wait_dma2 semaphore(%arg13 : memref<!tpu.dma_semaphore, #tpu.memory_space<semaphore_mem>>) src(%arg6 : memref<80x128xf32, #tpu.memory_space<vmem>>) dst(%dma_wait3A_125 : memref<80x128xf32, #tpu.memory_space<vmem_shared>>)
    %dma_start3A_126 = arith.constant 0 : i32
    %dma_start3A_127 = tpu.memref_slice %arg2[%mul3A_4, %dma_start3A_126] : memref<320000x128xf32, #tpu.memory_space<hbm>> -> memref<80x128xf32, #tpu.memory_space<hbm>>
    %dma_start3A_128 = arith.constant 0 : i32
    %dma_start3A_129 = tpu.memref_slice %arg2[%mul3A_4, %dma_start3A_128] : memref<320000x128xf32, #tpu.memory_space<hbm>> -> memref<80x128xf32, #tpu.memory_space<hbm>>
    tpu.enqueue_dma source(%dma_start3A_129 : memref<80x128xf32, #tpu.memory_space<hbm>>) target(%arg6 : memref<80x128xf32, #tpu.memory_space<vmem>>) target_semaphore(%arg10 : memref<!tpu.dma_semaphore, #tpu.memory_space<semaphore_mem>>)
    %dma_wait3A_130 = arith.constant 0 : i32
    %dma_wait3A_131 = arith.constant 0 : i32
    %dma_wait3A_132 = tpu.memref_slice %arg3[%add3A, %dma_wait3A_130, %dma_wait3A_131] : memref<32x125x80xi32, #tpu.memory_space<hbm>> -> memref<1x125x80xi32, #tpu.memory_space<hbm>>
    %dma_wait3A_133 = tpu.memref_squeeze %dma_wait3A_132 : memref<1x125x80xi32, #tpu.memory_space<hbm>> -> memref<125x80xi32, #tpu.memory_space<hbm>>
    %dma_wait3A_134 = arith.constant 0 : i32
    %dma_wait3A_135 = arith.constant 0 : i32
    %dma_wait3A_136 = tpu.memref_slice %arg3[%add3A, %dma_wait3A_134, %dma_wait3A_135] : memref<32x125x80xi32, #tpu.memory_space<hbm>> -> memref<1x125x80xi32, #tpu.memory_space<hbm>>
    %dma_wait3A_137 = tpu.memref_squeeze %dma_wait3A_136 : memref<1x125x80xi32, #tpu.memory_space<hbm>> -> memref<125x80xi32, #tpu.memory_space<hbm>>
    tpu.wait_dma2 semaphore(%arg16 : memref<!tpu.dma_semaphore, #tpu.memory_space<semaphore_mem>>) src(%dma_wait3A_137 : memref<125x80xi32, #tpu.memory_space<hbm>>) dst(%arg5 : memref<125x80xi32, #tpu.memory_space<vmem>>)
    %barrier3A = arith.constant 0 : index
    tpu.barrier barrier_id(%barrier3A)
    %dma_wait3A_138 = arith.constant 0 : i32
    %dma_wait3A_139 = arith.constant 0 : i32
    %dma_wait3A_140 = tpu.memref_slice %arg2[%dma_wait3A_138, %dma_wait3A_139] : memref<320000x128xf32, #tpu.memory_space<hbm>> -> memref<80x128xf32, #tpu.memory_space<hbm>>
    %dma_wait3A_141 = arith.constant 0 : i32
    %dma_wait3A_142 = arith.constant 0 : i32
    %dma_wait3A_143 = tpu.memref_slice %arg2[%dma_wait3A_141, %dma_wait3A_142] : memref<320000x128xf32, #tpu.memory_space<hbm>> -> memref<80x128xf32, #tpu.memory_space<hbm>>
    tpu.wait_dma2 semaphore(%arg10 : memref<!tpu.dma_semaphore, #tpu.memory_space<semaphore_mem>>) src(%dma_wait3A_143 : memref<80x128xf32, #tpu.memory_space<hbm>>) dst(%arg6 : memref<80x128xf32, #tpu.memory_space<vmem>>)
    %dma_start3A_144 = arith.constant 0 : i32
    %dma_start3A_145 = arith.constant 0 : i32
    %dma_start3A_146 = tpu.memref_slice %arg5[%dma_start3A_144, %dma_start3A_145] : memref<125x80xi32, #tpu.memory_space<vmem>> -> memref<1x80xi32, #tpu.memory_space<vmem>>
    %dma_start3A_147 = tpu.memref_squeeze %dma_start3A_146 : memref<1x80xi32, #tpu.memory_space<vmem>> -> memref<80xi32, #tpu.memory_space<vmem>>
    %dma_start3A_148 = arith.constant 0 : i32
    %dma_start3A_149 = arith.constant 0 : i32
    %dma_start3A_150 = tpu.memref_slice %arg9[%dma_start3A_148, %dma_start3A_149] : memref<10240x128xf32, #tpu.memory_space<vmem_shared>> -> memref<10240x128xf32, #tpu.memory_space<vmem_shared>>
    tpu.enqueue_indirect_dma source(%arg6 : memref<80x128xf32, #tpu.memory_space<vmem>>) target(%dma_start3A_150 : memref<10240x128xf32, #tpu.memory_space<vmem_shared>>) offsets(%dma_start3A_147 : memref<80xi32, #tpu.memory_space<vmem>>) semaphore(%arg13 : memref<!tpu.dma_semaphore, #tpu.memory_space<semaphore_mem>>) {add = true}
    %scan3A_151 = arith.constant 0 : i32
    %scan3A_152 = arith.constant 0 : i32
    %scan3A_153 = arith.constant 10 : i32
    %scan3A_154 = arith.addi %scan3A_152, %scan3A_153 : i32
    %scan3A_155 = arith.constant 1 : i32
    scf.for %scan3A_257 = %scan3A_152 to %scan3A_154 step %scan3A_155  : i32 {
      %mul3A_258 = arith.constant 12 : i32
      %mul3A_259 = arith.muli %mul3A_258, %scan3A_257 : i32
      %add3A_260 = arith.constant 1 : i32
      %add3A_261 = arith.addi %add3A_260, %mul3A_259 : i32
      %add3A_262 = arith.constant 0 : i32
      %add3A_263 = arith.addi %add3A_261, %add3A_262 : i32
      %dma_wait3A_264 = arith.constant 0 : i32
      %dma_wait3A_265 = arith.constant 0 : i32
      %dma_wait3A_266 = tpu.memref_slice %arg2[%dma_wait3A_264, %dma_wait3A_265] : memref<320000x128xf32, #tpu.memory_space<hbm>> -> memref<80x128xf32, #tpu.memory_space<hbm>>
      %dma_wait3A_267 = arith.constant 0 : i32
      %dma_wait3A_268 = arith.constant 0 : i32
      %dma_wait3A_269 = tpu.memref_slice %arg2[%dma_wait3A_267, %dma_wait3A_268] : memref<320000x128xf32, #tpu.memory_space<hbm>> -> memref<80x128xf32, #tpu.memory_space<hbm>>
      tpu.wait_dma2 semaphore(%arg11 : memref<!tpu.dma_semaphore, #tpu.memory_space<semaphore_mem>>) src(%dma_wait3A_269 : memref<80x128xf32, #tpu.memory_space<hbm>>) dst(%arg7 : memref<80x128xf32, #tpu.memory_space<vmem>>)
      %dma_start3A_270 = arith.constant 0 : i32
      %dma_start3A_271 = tpu.memref_slice %arg5[%add3A_263, %dma_start3A_270] : memref<125x80xi32, #tpu.memory_space<vmem>> -> memref<1x80xi32, #tpu.memory_space<vmem>>
      %dma_start3A_272 = tpu.memref_squeeze %dma_start3A_271 : memref<1x80xi32, #tpu.memory_space<vmem>> -> memref<80xi32, #tpu.memory_space<vmem>>
      %dma_start3A_273 = arith.constant 0 : i32
      %dma_start3A_274 = arith.constant 0 : i32
      %dma_start3A_275 = tpu.memref_slice %arg9[%dma_start3A_273, %dma_start3A_274] : memref<10240x128xf32, #tpu.memory_space<vmem_shared>> -> memref<10240x128xf32, #tpu.memory_space<vmem_shared>>
      tpu.enqueue_indirect_dma source(%arg7 : memref<80x128xf32, #tpu.memory_space<vmem>>) target(%dma_start3A_275 : memref<10240x128xf32, #tpu.memory_space<vmem_shared>>) offsets(%dma_start3A_272 : memref<80xi32, #tpu.memory_space<vmem>>) semaphore(%arg14 : memref<!tpu.dma_semaphore, #tpu.memory_space<semaphore_mem>>) {add = true}
      %dma_wait3A_276 = arith.constant 0 : i32
      %dma_wait3A_277 = arith.constant 0 : i32
      %dma_wait3A_278 = tpu.memref_slice %arg5[%dma_wait3A_276, %dma_wait3A_277] : memref<125x80xi32, #tpu.memory_space<vmem>> -> memref<1x80xi32, #tpu.memory_space<vmem>>
      %dma_wait3A_279 = tpu.memref_squeeze %dma_wait3A_278 : memref<1x80xi32, #tpu.memory_space<vmem>> -> memref<80xi32, #tpu.memory_space<vmem>>
      %dma_wait3A_280 = arith.constant 0 : i32
      %dma_wait3A_281 = arith.constant 0 : i32
      %dma_wait3A_282 = tpu.memref_slice %arg9[%dma_wait3A_280, %dma_wait3A_281] : memref<10240x128xf32, #tpu.memory_space<vmem_shared>> -> memref<10240x128xf32, #tpu.memory_space<vmem_shared>>
      tpu.wait_indirect_dma semaphore(%arg13 : memref<!tpu.dma_semaphore, #tpu.memory_space<semaphore_mem>>) src(%arg6 : memref<80x128xf32, #tpu.memory_space<vmem>>) dst(%dma_wait3A_282 : memref<10240x128xf32, #tpu.memory_space<vmem_shared>>)
      %add3A_283 = arith.constant 2 : i32
      %add3A_284 = arith.addi %add3A_263, %add3A_283 : i32
      %mul3A_285 = arith.constant 80 : i32
      %mul3A_286 = arith.muli %add3A_284, %mul3A_285 : i32
      %add3A_287 = arith.addi %mul3A_4, %mul3A_286 : i32
      %dma_start3A_288 = arith.constant 0 : i32
      %dma_start3A_289 = tpu.memref_slice %arg2[%add3A_287, %dma_start3A_288] : memref<320000x128xf32, #tpu.memory_space<hbm>> -> memref<80x128xf32, #tpu.memory_space<hbm>>
      %dma_start3A_290 = arith.constant 0 : i32
      %dma_start3A_291 = tpu.memref_slice %arg2[%add3A_287, %dma_start3A_290] : memref<320000x128xf32, #tpu.memory_space<hbm>> -> memref<80x128xf32, #tpu.memory_space<hbm>>
      tpu.enqueue_dma source(%dma_start3A_291 : memref<80x128xf32, #tpu.memory_space<hbm>>) target(%arg6 : memref<80x128xf32, #tpu.memory_space<vmem>>) target_semaphore(%arg10 : memref<!tpu.dma_semaphore, #tpu.memory_space<semaphore_mem>>)
      %mul3A_292 = arith.constant 12 : i32
      %mul3A_293 = arith.muli %mul3A_292, %scan3A_257 : i32
      %add3A_294 = arith.constant 1 : i32
      %add3A_295 = arith.addi %add3A_294, %mul3A_293 : i32
      %add3A_296 = arith.constant 1 : i32
      %add3A_297 = arith.addi %add3A_295, %add3A_296 : i32
      %dma_wait3A_298 = arith.constant 0 : i32
      %dma_wait3A_299 = arith.constant 0 : i32
      %dma_wait3A_300 = tpu.memref_slice %arg2[%dma_wait3A_298, %dma_wait3A_299] : memref<320000x128xf32, #tpu.memory_space<hbm>> -> memref<80x128xf32, #tpu.memory_space<hbm>>
      %dma_wait3A_301 = arith.constant 0 : i32
      %dma_wait3A_302 = arith.constant 0 : i32
      %dma_wait3A_303 = tpu.memref_slice %arg2[%dma_wait3A_301, %dma_wait3A_302] : memref<320000x128xf32, #tpu.memory_space<hbm>> -> memref<80x128xf32, #tpu.memory_space<hbm>>
      tpu.wait_dma2 semaphore(%arg12 : memref<!tpu.dma_semaphore, #tpu.memory_space<semaphore_mem>>) src(%dma_wait3A_303 : memref<80x128xf32, #tpu.memory_space<hbm>>) dst(%arg8 : memref<80x128xf32, #tpu.memory_space<vmem>>)
      %dma_start3A_304 = arith.constant 0 : i32
      %dma_start3A_305 = tpu.memref_slice %arg5[%add3A_297, %dma_start3A_304] : memref<125x80xi32, #tpu.memory_space<vmem>> -> memref<1x80xi32, #tpu.memory_space<vmem>>
      %dma_start3A_306 = tpu.memref_squeeze %dma_start3A_305 : memref<1x80xi32, #tpu.memory_space<vmem>> -> memref<80xi32, #tpu.memory_space<vmem>>
      %dma_start3A_307 = arith.constant 0 : i32
      %dma_start3A_308 = arith.constant 0 : i32
      %dma_start3A_309 = tpu.memref_slice %arg9[%dma_start3A_307, %dma_start3A_308] : memref<10240x128xf32, #tpu.memory_space<vmem_shared>> -> memref<10240x128xf32, #tpu.memory_space<vmem_shared>>
      tpu.enqueue_indirect_dma source(%arg8 : memref<80x128xf32, #tpu.memory_space<vmem>>) target(%dma_start3A_309 : memref<10240x128xf32, #tpu.memory_space<vmem_shared>>) offsets(%dma_start3A_306 : memref<80xi32, #tpu.memory_space<vmem>>) semaphore(%arg15 : memref<!tpu.dma_semaphore, #tpu.memory_space<semaphore_mem>>) {add = true}
      %dma_wait3A_310 = arith.constant 0 : i32
      %dma_wait3A_311 = arith.constant 0 : i32
      %dma_wait3A_312 = tpu.memref_slice %arg5[%dma_wait3A_310, %dma_wait3A_311] : memref<125x80xi32, #tpu.memory_space<vmem>> -> memref<1x80xi32, #tpu.memory_space<vmem>>
      %dma_wait3A_313 = tpu.memref_squeeze %dma_wait3A_312 : memref<1x80xi32, #tpu.memory_space<vmem>> -> memref<80xi32, #tpu.memory_space<vmem>>
      %dma_wait3A_314 = arith.constant 0 : i32
      %dma_wait3A_315 = arith.constant 0 : i32
      %dma_wait3A_316 = tpu.memref_slice %arg9[%dma_wait3A_314, %dma_wait3A_315] : memref<10240x128xf32, #tpu.memory_space<vmem_shared>> -> memref<10240x128xf32, #tpu.memory_space<vmem_shared>>
      tpu.wait_indirect_dma semaphore(%arg14 : memref<!tpu.dma_semaphore, #tpu.memory_space<semaphore_mem>>) src(%arg7 : memref<80x128xf32, #tpu.memory_space<vmem>>) dst(%dma_wait3A_316 : memref<10240x128xf32, #tpu.memory_space<vmem_shared>>)
      %add3A_317 = arith.constant 2 : i32
      %add3A_318 = arith.addi %add3A_297, %add3A_317 : i32
      %mul3A_319 = arith.constant 80 : i32
      %mul3A_320 = arith.muli %add3A_318, %mul3A_319 : i32
      %add3A_321 = arith.addi %mul3A_4, %mul3A_320 : i32
      %dma_start3A_322 = arith.constant 0 : i32
      %dma_start3A_323 = tpu.memref_slice %arg2[%add3A_321, %dma_start3A_322] : memref<320000x128xf32, #tpu.memory_space<hbm>> -> memref<80x128xf32, #tpu.memory_space<hbm>>
      %dma_start3A_324 = arith.constant 0 : i32
      %dma_start3A_325 = tpu.memref_slice %arg2[%add3A_321, %dma_start3A_324] : memref<320000x128xf32, #tpu.memory_space<hbm>> -> memref<80x128xf32, #tpu.memory_space<hbm>>
      tpu.enqueue_dma source(%dma_start3A_325 : memref<80x128xf32, #tpu.memory_space<hbm>>) target(%arg7 : memref<80x128xf32, #tpu.memory_space<vmem>>) target_semaphore(%arg11 : memref<!tpu.dma_semaphore, #tpu.memory_space<semaphore_mem>>)
      %mul3A_326 = arith.constant 12 : i32
      %mul3A_327 = arith.muli %mul3A_326, %scan3A_257 : i32
      %add3A_328 = arith.constant 1 : i32
      %add3A_329 = arith.addi %add3A_328, %mul3A_327 : i32
      %add3A_330 = arith.constant 2 : i32
      %add3A_331 = arith.addi %add3A_329, %add3A_330 : i32
      %dma_wait3A_332 = arith.constant 0 : i32
      %dma_wait3A_333 = arith.constant 0 : i32
      %dma_wait3A_334 = tpu.memref_slice %arg2[%dma_wait3A_332, %dma_wait3A_333] : memref<320000x128xf32, #tpu.memory_space<hbm>> -> memref<80x128xf32, #tpu.memory_space<hbm>>
      %dma_wait3A_335 = arith.constant 0 : i32
      %dma_wait3A_336 = arith.constant 0 : i32
      %dma_wait3A_337 = tpu.memref_slice %arg2[%dma_wait3A_335, %dma_wait3A_336] : memref<320000x128xf32, #tpu.memory_space<hbm>> -> memref<80x128xf32, #tpu.memory_space<hbm>>
      tpu.wait_dma2 semaphore(%arg10 : memref<!tpu.dma_semaphore, #tpu.memory_space<semaphore_mem>>) src(%dma_wait3A_337 : memref<80x128xf32, #tpu.memory_space<hbm>>) dst(%arg6 : memref<80x128xf32, #tpu.memory_space<vmem>>)
      %dma_start3A_338 = arith.constant 0 : i32
      %dma_start3A_339 = tpu.memref_slice %arg5[%add3A_331, %dma_start3A_338] : memref<125x80xi32, #tpu.memory_space<vmem>> -> memref<1x80xi32, #tpu.memory_space<vmem>>
      %dma_start3A_340 = tpu.memref_squeeze %dma_start3A_339 : memref<1x80xi32, #tpu.memory_space<vmem>> -> memref<80xi32, #tpu.memory_space<vmem>>
      %dma_start3A_341 = arith.constant 0 : i32
      %dma_start3A_342 = arith.constant 0 : i32
      %dma_start3A_343 = tpu.memref_slice %arg9[%dma_start3A_341, %dma_start3A_342] : memref<10240x128xf32, #tpu.memory_space<vmem_shared>> -> memref<10240x128xf32, #tpu.memory_space<vmem_shared>>
      tpu.enqueue_indirect_dma source(%arg6 : memref<80x128xf32, #tpu.memory_space<vmem>>) target(%dma_start3A_343 : memref<10240x128xf32, #tpu.memory_space<vmem_shared>>) offsets(%dma_start3A_340 : memref<80xi32, #tpu.memory_space<vmem>>) semaphore(%arg13 : memref<!tpu.dma_semaphore, #tpu.memory_space<semaphore_mem>>) {add = true}
      %dma_wait3A_344 = arith.constant 0 : i32
      %dma_wait3A_345 = arith.constant 0 : i32
      %dma_wait3A_346 = tpu.memref_slice %arg5[%dma_wait3A_344, %dma_wait3A_345] : memref<125x80xi32, #tpu.memory_space<vmem>> -> memref<1x80xi32, #tpu.memory_space<vmem>>
      %dma_wait3A_347 = tpu.memref_squeeze %dma_wait3A_346 : memref<1x80xi32, #tpu.memory_space<vmem>> -> memref<80xi32, #tpu.memory_space<vmem>>
      %dma_wait3A_348 = arith.constant 0 : i32
      %dma_wait3A_349 = arith.constant 0 : i32
      %dma_wait3A_350 = tpu.memref_slice %arg9[%dma_wait3A_348, %dma_wait3A_349] : memref<10240x128xf32, #tpu.memory_space<vmem_shared>> -> memref<10240x128xf32, #tpu.memory_space<vmem_shared>>
      tpu.wait_indirect_dma semaphore(%arg15 : memref<!tpu.dma_semaphore, #tpu.memory_space<semaphore_mem>>) src(%arg8 : memref<80x128xf32, #tpu.memory_space<vmem>>) dst(%dma_wait3A_350 : memref<10240x128xf32, #tpu.memory_space<vmem_shared>>)
      %add3A_351 = arith.constant 2 : i32
      %add3A_352 = arith.addi %add3A_331, %add3A_351 : i32
      %mul3A_353 = arith.constant 80 : i32
      %mul3A_354 = arith.muli %add3A_352, %mul3A_353 : i32
      %add3A_355 = arith.addi %mul3A_4, %mul3A_354 : i32
      %dma_start3A_356 = arith.constant 0 : i32
      %dma_start3A_357 = tpu.memref_slice %arg2[%add3A_355, %dma_start3A_356] : memref<320000x128xf32, #tpu.memory_space<hbm>> -> memref<80x128xf32, #tpu.memory_space<hbm>>
      %dma_start3A_358 = arith.constant 0 : i32
      %dma_start3A_359 = tpu.memref_slice %arg2[%add3A_355, %dma_start3A_358] : memref<320000x128xf32, #tpu.memory_space<hbm>> -> memref<80x128xf32, #tpu.memory_space<hbm>>
      tpu.enqueue_dma source(%dma_start3A_359 : memref<80x128xf32, #tpu.memory_space<hbm>>) target(%arg8 : memref<80x128xf32, #tpu.memory_space<vmem>>) target_semaphore(%arg12 : memref<!tpu.dma_semaphore, #tpu.memory_space<semaphore_mem>>)
      %mul3A_360 = arith.constant 12 : i32
      %mul3A_361 = arith.muli %mul3A_360, %scan3A_257 : i32
      %add3A_362 = arith.constant 1 : i32
      %add3A_363 = arith.addi %add3A_362, %mul3A_361 : i32
      %add3A_364 = arith.constant 3 : i32
      %add3A_365 = arith.addi %add3A_363, %add3A_364 : i32
      %dma_wait3A_366 = arith.constant 0 : i32
      %dma_wait3A_367 = arith.constant 0 : i32
      %dma_wait3A_368 = tpu.memref_slice %arg2[%dma_wait3A_366, %dma_wait3A_367] : memref<320000x128xf32, #tpu.memory_space<hbm>> -> memref<80x128xf32, #tpu.memory_space<hbm>>
      %dma_wait3A_369 = arith.constant 0 : i32
      %dma_wait3A_370 = arith.constant 0 : i32
      %dma_wait3A_371 = tpu.memref_slice %arg2[%dma_wait3A_369, %dma_wait3A_370] : memref<320000x128xf32, #tpu.memory_space<hbm>> -> memref<80x128xf32, #tpu.memory_space<hbm>>
      tpu.wait_dma2 semaphore(%arg11 : memref<!tpu.dma_semaphore, #tpu.memory_space<semaphore_mem>>) src(%dma_wait3A_371 : memref<80x128xf32, #tpu.memory_space<hbm>>) dst(%arg7 : memref<80x128xf32, #tpu.memory_space<vmem>>)
      %dma_start3A_372 = arith.constant 0 : i32
      %dma_start3A_373 = tpu.memref_slice %arg5[%add3A_365, %dma_start3A_372] : memref<125x80xi32, #tpu.memory_space<vmem>> -> memref<1x80xi32, #tpu.memory_space<vmem>>
      %dma_start3A_374 = tpu.memref_squeeze %dma_start3A_373 : memref<1x80xi32, #tpu.memory_space<vmem>> -> memref<80xi32, #tpu.memory_space<vmem>>
      %dma_start3A_375 = arith.constant 0 : i32
      %dma_start3A_376 = arith.constant 0 : i32
      %dma_start3A_377 = tpu.memref_slice %arg9[%dma_start3A_375, %dma_start3A_376] : memref<10240x128xf32, #tpu.memory_space<vmem_shared>> -> memref<10240x128xf32, #tpu.memory_space<vmem_shared>>
      tpu.enqueue_indirect_dma source(%arg7 : memref<80x128xf32, #tpu.memory_space<vmem>>) target(%dma_start3A_377 : memref<10240x128xf32, #tpu.memory_space<vmem_shared>>) offsets(%dma_start3A_374 : memref<80xi32, #tpu.memory_space<vmem>>) semaphore(%arg14 : memref<!tpu.dma_semaphore, #tpu.memory_space<semaphore_mem>>) {add = true}
      %dma_wait3A_378 = arith.constant 0 : i32
      %dma_wait3A_379 = arith.constant 0 : i32
      %dma_wait3A_380 = tpu.memref_slice %arg5[%dma_wait3A_378, %dma_wait3A_379] : memref<125x80xi32, #tpu.memory_space<vmem>> -> memref<1x80xi32, #tpu.memory_space<vmem>>
      %dma_wait3A_381 = tpu.memref_squeeze %dma_wait3A_380 : memref<1x80xi32, #tpu.memory_space<vmem>> -> memref<80xi32, #tpu.memory_space<vmem>>
      %dma_wait3A_382 = arith.constant 0 : i32
      %dma_wait3A_383 = arith.constant 0 : i32
      %dma_wait3A_384 = tpu.memref_slice %arg9[%dma_wait3A_382, %dma_wait3A_383] : memref<10240x128xf32, #tpu.memory_space<vmem_shared>> -> memref<10240x128xf32, #tpu.memory_space<vmem_shared>>
      tpu.wait_indirect_dma semaphore(%arg13 : memref<!tpu.dma_semaphore, #tpu.memory_space<semaphore_mem>>) src(%arg6 : memref<80x128xf32, #tpu.memory_space<vmem>>) dst(%dma_wait3A_384 : memref<10240x128xf32, #tpu.memory_space<vmem_shared>>)
      %add3A_385 = arith.constant 2 : i32
      %add3A_386 = arith.addi %add3A_365, %add3A_385 : i32
      %mul3A_387 = arith.constant 80 : i32
      %mul3A_388 = arith.muli %add3A_386, %mul3A_387 : i32
      %add3A_389 = arith.addi %mul3A_4, %mul3A_388 : i32
      %dma_start3A_390 = arith.constant 0 : i32
      %dma_start3A_391 = tpu.memref_slice %arg2[%add3A_389, %dma_start3A_390] : memref<320000x128xf32, #tpu.memory_space<hbm>> -> memref<80x128xf32, #tpu.memory_space<hbm>>
      %dma_start3A_392 = arith.constant 0 : i32
      %dma_start3A_393 = tpu.memref_slice %arg2[%add3A_389, %dma_start3A_392] : memref<320000x128xf32, #tpu.memory_space<hbm>> -> memref<80x128xf32, #tpu.memory_space<hbm>>
      tpu.enqueue_dma source(%dma_start3A_393 : memref<80x128xf32, #tpu.memory_space<hbm>>) target(%arg6 : memref<80x128xf32, #tpu.memory_space<vmem>>) target_semaphore(%arg10 : memref<!tpu.dma_semaphore, #tpu.memory_space<semaphore_mem>>)
      %mul3A_394 = arith.constant 12 : i32
      %mul3A_395 = arith.muli %mul3A_394, %scan3A_257 : i32
      %add3A_396 = arith.constant 1 : i32
      %add3A_397 = arith.addi %add3A_396, %mul3A_395 : i32
      %add3A_398 = arith.constant 4 : i32
      %add3A_399 = arith.addi %add3A_397, %add3A_398 : i32
      %dma_wait3A_400 = arith.constant 0 : i32
      %dma_wait3A_401 = arith.constant 0 : i32
      %dma_wait3A_402 = tpu.memref_slice %arg2[%dma_wait3A_400, %dma_wait3A_401] : memref<320000x128xf32, #tpu.memory_space<hbm>> -> memref<80x128xf32, #tpu.memory_space<hbm>>
      %dma_wait3A_403 = arith.constant 0 : i32
      %dma_wait3A_404 = arith.constant 0 : i32
      %dma_wait3A_405 = tpu.memref_slice %arg2[%dma_wait3A_403, %dma_wait3A_404] : memref<320000x128xf32, #tpu.memory_space<hbm>> -> memref<80x128xf32, #tpu.memory_space<hbm>>
      tpu.wait_dma2 semaphore(%arg12 : memref<!tpu.dma_semaphore, #tpu.memory_space<semaphore_mem>>) src(%dma_wait3A_405 : memref<80x128xf32, #tpu.memory_space<hbm>>) dst(%arg8 : memref<80x128xf32, #tpu.memory_space<vmem>>)
      %dma_start3A_406 = arith.constant 0 : i32
      %dma_start3A_407 = tpu.memref_slice %arg5[%add3A_399, %dma_start3A_406] : memref<125x80xi32, #tpu.memory_space<vmem>> -> memref<1x80xi32, #tpu.memory_space<vmem>>
      %dma_start3A_408 = tpu.memref_squeeze %dma_start3A_407 : memref<1x80xi32, #tpu.memory_space<vmem>> -> memref<80xi32, #tpu.memory_space<vmem>>
      %dma_start3A_409 = arith.constant 0 : i32
      %dma_start3A_410 = arith.constant 0 : i32
      %dma_start3A_411 = tpu.memref_slice %arg9[%dma_start3A_409, %dma_start3A_410] : memref<10240x128xf32, #tpu.memory_space<vmem_shared>> -> memref<10240x128xf32, #tpu.memory_space<vmem_shared>>
      tpu.enqueue_indirect_dma source(%arg8 : memref<80x128xf32, #tpu.memory_space<vmem>>) target(%dma_start3A_411 : memref<10240x128xf32, #tpu.memory_space<vmem_shared>>) offsets(%dma_start3A_408 : memref<80xi32, #tpu.memory_space<vmem>>) semaphore(%arg15 : memref<!tpu.dma_semaphore, #tpu.memory_space<semaphore_mem>>) {add = true}
      %dma_wait3A_412 = arith.constant 0 : i32
      %dma_wait3A_413 = arith.constant 0 : i32
      %dma_wait3A_414 = tpu.memref_slice %arg5[%dma_wait3A_412, %dma_wait3A_413] : memref<125x80xi32, #tpu.memory_space<vmem>> -> memref<1x80xi32, #tpu.memory_space<vmem>>
      %dma_wait3A_415 = tpu.memref_squeeze %dma_wait3A_414 : memref<1x80xi32, #tpu.memory_space<vmem>> -> memref<80xi32, #tpu.memory_space<vmem>>
      %dma_wait3A_416 = arith.constant 0 : i32
      %dma_wait3A_417 = arith.constant 0 : i32
      %dma_wait3A_418 = tpu.memref_slice %arg9[%dma_wait3A_416, %dma_wait3A_417] : memref<10240x128xf32, #tpu.memory_space<vmem_shared>> -> memref<10240x128xf32, #tpu.memory_space<vmem_shared>>
      tpu.wait_indirect_dma semaphore(%arg14 : memref<!tpu.dma_semaphore, #tpu.memory_space<semaphore_mem>>) src(%arg7 : memref<80x128xf32, #tpu.memory_space<vmem>>) dst(%dma_wait3A_418 : memref<10240x128xf32, #tpu.memory_space<vmem_shared>>)
      %add3A_419 = arith.constant 2 : i32
      %add3A_420 = arith.addi %add3A_399, %add3A_419 : i32
      %mul3A_421 = arith.constant 80 : i32
      %mul3A_422 = arith.muli %add3A_420, %mul3A_421 : i32
      %add3A_423 = arith.addi %mul3A_4, %mul3A_422 : i32
      %dma_start3A_424 = arith.constant 0 : i32
      %dma_start3A_425 = tpu.memref_slice %arg2[%add3A_423, %dma_start3A_424] : memref<320000x128xf32, #tpu.memory_space<hbm>> -> memref<80x128xf32, #tpu.memory_space<hbm>>
      %dma_start3A_426 = arith.constant 0 : i32
      %dma_start3A_427 = tpu.memref_slice %arg2[%add3A_423, %dma_start3A_426] : memref<320000x128xf32, #tpu.memory_space<hbm>> -> memref<80x128xf32, #tpu.memory_space<hbm>>
      tpu.enqueue_dma source(%dma_start3A_427 : memref<80x128xf32, #tpu.memory_space<hbm>>) target(%arg7 : memref<80x128xf32, #tpu.memory_space<vmem>>) target_semaphore(%arg11 : memref<!tpu.dma_semaphore, #tpu.memory_space<semaphore_mem>>)
      %mul3A_428 = arith.constant 12 : i32
      %mul3A_429 = arith.muli %mul3A_428, %scan3A_257 : i32
      %add3A_430 = arith.constant 1 : i32
      %add3A_431 = arith.addi %add3A_430, %mul3A_429 : i32
      %add3A_432 = arith.constant 5 : i32
      %add3A_433 = arith.addi %add3A_431, %add3A_432 : i32
      %dma_wait3A_434 = arith.constant 0 : i32
      %dma_wait3A_435 = arith.constant 0 : i32
      %dma_wait3A_436 = tpu.memref_slice %arg2[%dma_wait3A_434, %dma_wait3A_435] : memref<320000x128xf32, #tpu.memory_space<hbm>> -> memref<80x128xf32, #tpu.memory_space<hbm>>
      %dma_wait3A_437 = arith.constant 0 : i32
      %dma_wait3A_438 = arith.constant 0 : i32
      %dma_wait3A_439 = tpu.memref_slice %arg2[%dma_wait3A_437, %dma_wait3A_438] : memref<320000x128xf32, #tpu.memory_space<hbm>> -> memref<80x128xf32, #tpu.memory_space<hbm>>
      tpu.wait_dma2 semaphore(%arg10 : memref<!tpu.dma_semaphore, #tpu.memory_space<semaphore_mem>>) src(%dma_wait3A_439 : memref<80x128xf32, #tpu.memory_space<hbm>>) dst(%arg6 : memref<80x128xf32, #tpu.memory_space<vmem>>)
      %dma_start3A_440 = arith.constant 0 : i32
      %dma_start3A_441 = tpu.memref_slice %arg5[%add3A_433, %dma_start3A_440] : memref<125x80xi32, #tpu.memory_space<vmem>> -> memref<1x80xi32, #tpu.memory_space<vmem>>
      %dma_start3A_442 = tpu.memref_squeeze %dma_start3A_441 : memref<1x80xi32, #tpu.memory_space<vmem>> -> memref<80xi32, #tpu.memory_space<vmem>>
      %dma_start3A_443 = arith.constant 0 : i32
      %dma_start3A_444 = arith.constant 0 : i32
      %dma_start3A_445 = tpu.memref_slice %arg9[%dma_start3A_443, %dma_start3A_444] : memref<10240x128xf32, #tpu.memory_space<vmem_shared>> -> memref<10240x128xf32, #tpu.memory_space<vmem_shared>>
      tpu.enqueue_indirect_dma source(%arg6 : memref<80x128xf32, #tpu.memory_space<vmem>>) target(%dma_start3A_445 : memref<10240x128xf32, #tpu.memory_space<vmem_shared>>) offsets(%dma_start3A_442 : memref<80xi32, #tpu.memory_space<vmem>>) semaphore(%arg13 : memref<!tpu.dma_semaphore, #tpu.memory_space<semaphore_mem>>) {add = true}
      %dma_wait3A_446 = arith.constant 0 : i32
      %dma_wait3A_447 = arith.constant 0 : i32
      %dma_wait3A_448 = tpu.memref_slice %arg5[%dma_wait3A_446, %dma_wait3A_447] : memref<125x80xi32, #tpu.memory_space<vmem>> -> memref<1x80xi32, #tpu.memory_space<vmem>>
      %dma_wait3A_449 = tpu.memref_squeeze %dma_wait3A_448 : memref<1x80xi32, #tpu.memory_space<vmem>> -> memref<80xi32, #tpu.memory_space<vmem>>
      %dma_wait3A_450 = arith.constant 0 : i32
      %dma_wait3A_451 = arith.constant 0 : i32
      %dma_wait3A_452 = tpu.memref_slice %arg9[%dma_wait3A_450, %dma_wait3A_451] : memref<10240x128xf32, #tpu.memory_space<vmem_shared>> -> memref<10240x128xf32, #tpu.memory_space<vmem_shared>>
      tpu.wait_indirect_dma semaphore(%arg15 : memref<!tpu.dma_semaphore, #tpu.memory_space<semaphore_mem>>) src(%arg8 : memref<80x128xf32, #tpu.memory_space<vmem>>) dst(%dma_wait3A_452 : memref<10240x128xf32, #tpu.memory_space<vmem_shared>>)
      %add3A_453 = arith.constant 2 : i32
      %add3A_454 = arith.addi %add3A_433, %add3A_453 : i32
      %mul3A_455 = arith.constant 80 : i32
      %mul3A_456 = arith.muli %add3A_454, %mul3A_455 : i32
      %add3A_457 = arith.addi %mul3A_4, %mul3A_456 : i32
      %dma_start3A_458 = arith.constant 0 : i32
      %dma_start3A_459 = tpu.memref_slice %arg2[%add3A_457, %dma_start3A_458] : memref<320000x128xf32, #tpu.memory_space<hbm>> -> memref<80x128xf32, #tpu.memory_space<hbm>>
      %dma_start3A_460 = arith.constant 0 : i32
      %dma_start3A_461 = tpu.memref_slice %arg2[%add3A_457, %dma_start3A_460] : memref<320000x128xf32, #tpu.memory_space<hbm>> -> memref<80x128xf32, #tpu.memory_space<hbm>>
      tpu.enqueue_dma source(%dma_start3A_461 : memref<80x128xf32, #tpu.memory_space<hbm>>) target(%arg8 : memref<80x128xf32, #tpu.memory_space<vmem>>) target_semaphore(%arg12 : memref<!tpu.dma_semaphore, #tpu.memory_space<semaphore_mem>>)
      %mul3A_462 = arith.constant 12 : i32
      %mul3A_463 = arith.muli %mul3A_462, %scan3A_257 : i32
      %add3A_464 = arith.constant 1 : i32
      %add3A_465 = arith.addi %add3A_464, %mul3A_463 : i32
      %add3A_466 = arith.constant 6 : i32
      %add3A_467 = arith.addi %add3A_465, %add3A_466 : i32
      %dma_wait3A_468 = arith.constant 0 : i32
      %dma_wait3A_469 = arith.constant 0 : i32
      %dma_wait3A_470 = tpu.memref_slice %arg2[%dma_wait3A_468, %dma_wait3A_469] : memref<320000x128xf32, #tpu.memory_space<hbm>> -> memref<80x128xf32, #tpu.memory_space<hbm>>
      %dma_wait3A_471 = arith.constant 0 : i32
      %dma_wait3A_472 = arith.constant 0 : i32
      %dma_wait3A_473 = tpu.memref_slice %arg2[%dma_wait3A_471, %dma_wait3A_472] : memref<320000x128xf32, #tpu.memory_space<hbm>> -> memref<80x128xf32, #tpu.memory_space<hbm>>
      tpu.wait_dma2 semaphore(%arg11 : memref<!tpu.dma_semaphore, #tpu.memory_space<semaphore_mem>>) src(%dma_wait3A_473 : memref<80x128xf32, #tpu.memory_space<hbm>>) dst(%arg7 : memref<80x128xf32, #tpu.memory_space<vmem>>)
      %dma_start3A_474 = arith.constant 0 : i32
      %dma_start3A_475 = tpu.memref_slice %arg5[%add3A_467, %dma_start3A_474] : memref<125x80xi32, #tpu.memory_space<vmem>> -> memref<1x80xi32, #tpu.memory_space<vmem>>
      %dma_start3A_476 = tpu.memref_squeeze %dma_start3A_475 : memref<1x80xi32, #tpu.memory_space<vmem>> -> memref<80xi32, #tpu.memory_space<vmem>>
      %dma_start3A_477 = arith.constant 0 : i32
      %dma_start3A_478 = arith.constant 0 : i32
      %dma_start3A_479 = tpu.memref_slice %arg9[%dma_start3A_477, %dma_start3A_478] : memref<10240x128xf32, #tpu.memory_space<vmem_shared>> -> memref<10240x128xf32, #tpu.memory_space<vmem_shared>>
      tpu.enqueue_indirect_dma source(%arg7 : memref<80x128xf32, #tpu.memory_space<vmem>>) target(%dma_start3A_479 : memref<10240x128xf32, #tpu.memory_space<vmem_shared>>) offsets(%dma_start3A_476 : memref<80xi32, #tpu.memory_space<vmem>>) semaphore(%arg14 : memref<!tpu.dma_semaphore, #tpu.memory_space<semaphore_mem>>) {add = true}
      %dma_wait3A_480 = arith.constant 0 : i32
      %dma_wait3A_481 = arith.constant 0 : i32
      %dma_wait3A_482 = tpu.memref_slice %arg5[%dma_wait3A_480, %dma_wait3A_481] : memref<125x80xi32, #tpu.memory_space<vmem>> -> memref<1x80xi32, #tpu.memory_space<vmem>>
      %dma_wait3A_483 = tpu.memref_squeeze %dma_wait3A_482 : memref<1x80xi32, #tpu.memory_space<vmem>> -> memref<80xi32, #tpu.memory_space<vmem>>
      %dma_wait3A_484 = arith.constant 0 : i32
      %dma_wait3A_485 = arith.constant 0 : i32
      %dma_wait3A_486 = tpu.memref_slice %arg9[%dma_wait3A_484, %dma_wait3A_485] : memref<10240x128xf32, #tpu.memory_space<vmem_shared>> -> memref<10240x128xf32, #tpu.memory_space<vmem_shared>>
      tpu.wait_indirect_dma semaphore(%arg13 : memref<!tpu.dma_semaphore, #tpu.memory_space<semaphore_mem>>) src(%arg6 : memref<80x128xf32, #tpu.memory_space<vmem>>) dst(%dma_wait3A_486 : memref<10240x128xf32, #tpu.memory_space<vmem_shared>>)
      %add3A_487 = arith.constant 2 : i32
      %add3A_488 = arith.addi %add3A_467, %add3A_487 : i32
      %mul3A_489 = arith.constant 80 : i32
      %mul3A_490 = arith.muli %add3A_488, %mul3A_489 : i32
      %add3A_491 = arith.addi %mul3A_4, %mul3A_490 : i32
      %dma_start3A_492 = arith.constant 0 : i32
      %dma_start3A_493 = tpu.memref_slice %arg2[%add3A_491, %dma_start3A_492] : memref<320000x128xf32, #tpu.memory_space<hbm>> -> memref<80x128xf32, #tpu.memory_space<hbm>>
      %dma_start3A_494 = arith.constant 0 : i32
      %dma_start3A_495 = tpu.memref_slice %arg2[%add3A_491, %dma_start3A_494] : memref<320000x128xf32, #tpu.memory_space<hbm>> -> memref<80x128xf32, #tpu.memory_space<hbm>>
      tpu.enqueue_dma source(%dma_start3A_495 : memref<80x128xf32, #tpu.memory_space<hbm>>) target(%arg6 : memref<80x128xf32, #tpu.memory_space<vmem>>) target_semaphore(%arg10 : memref<!tpu.dma_semaphore, #tpu.memory_space<semaphore_mem>>)
      %mul3A_496 = arith.constant 12 : i32
      %mul3A_497 = arith.muli %mul3A_496, %scan3A_257 : i32
      %add3A_498 = arith.constant 1 : i32
      %add3A_499 = arith.addi %add3A_498, %mul3A_497 : i32
      %add3A_500 = arith.constant 7 : i32
      %add3A_501 = arith.addi %add3A_499, %add3A_500 : i32
      %dma_wait3A_502 = arith.constant 0 : i32
      %dma_wait3A_503 = arith.constant 0 : i32
      %dma_wait3A_504 = tpu.memref_slice %arg2[%dma_wait3A_502, %dma_wait3A_503] : memref<320000x128xf32, #tpu.memory_space<hbm>> -> memref<80x128xf32, #tpu.memory_space<hbm>>
      %dma_wait3A_505 = arith.constant 0 : i32
      %dma_wait3A_506 = arith.constant 0 : i32
      %dma_wait3A_507 = tpu.memref_slice %arg2[%dma_wait3A_505, %dma_wait3A_506] : memref<320000x128xf32, #tpu.memory_space<hbm>> -> memref<80x128xf32, #tpu.memory_space<hbm>>
      tpu.wait_dma2 semaphore(%arg12 : memref<!tpu.dma_semaphore, #tpu.memory_space<semaphore_mem>>) src(%dma_wait3A_507 : memref<80x128xf32, #tpu.memory_space<hbm>>) dst(%arg8 : memref<80x128xf32, #tpu.memory_space<vmem>>)
      %dma_start3A_508 = arith.constant 0 : i32
      %dma_start3A_509 = tpu.memref_slice %arg5[%add3A_501, %dma_start3A_508] : memref<125x80xi32, #tpu.memory_space<vmem>> -> memref<1x80xi32, #tpu.memory_space<vmem>>
      %dma_start3A_510 = tpu.memref_squeeze %dma_start3A_509 : memref<1x80xi32, #tpu.memory_space<vmem>> -> memref<80xi32, #tpu.memory_space<vmem>>
      %dma_start3A_511 = arith.constant 0 : i32
      %dma_start3A_512 = arith.constant 0 : i32
      %dma_start3A_513 = tpu.memref_slice %arg9[%dma_start3A_511, %dma_start3A_512] : memref<10240x128xf32, #tpu.memory_space<vmem_shared>> -> memref<10240x128xf32, #tpu.memory_space<vmem_shared>>
      tpu.enqueue_indirect_dma source(%arg8 : memref<80x128xf32, #tpu.memory_space<vmem>>) target(%dma_start3A_513 : memref<10240x128xf32, #tpu.memory_space<vmem_shared>>) offsets(%dma_start3A_510 : memref<80xi32, #tpu.memory_space<vmem>>) semaphore(%arg15 : memref<!tpu.dma_semaphore, #tpu.memory_space<semaphore_mem>>) {add = true}
      %dma_wait3A_514 = arith.constant 0 : i32
      %dma_wait3A_515 = arith.constant 0 : i32
      %dma_wait3A_516 = tpu.memref_slice %arg5[%dma_wait3A_514, %dma_wait3A_515] : memref<125x80xi32, #tpu.memory_space<vmem>> -> memref<1x80xi32, #tpu.memory_space<vmem>>
      %dma_wait3A_517 = tpu.memref_squeeze %dma_wait3A_516 : memref<1x80xi32, #tpu.memory_space<vmem>> -> memref<80xi32, #tpu.memory_space<vmem>>
      %dma_wait3A_518 = arith.constant 0 : i32
      %dma_wait3A_519 = arith.constant 0 : i32
      %dma_wait3A_520 = tpu.memref_slice %arg9[%dma_wait3A_518, %dma_wait3A_519] : memref<10240x128xf32, #tpu.memory_space<vmem_shared>> -> memref<10240x128xf32, #tpu.memory_space<vmem_shared>>
      tpu.wait_indirect_dma semaphore(%arg14 : memref<!tpu.dma_semaphore, #tpu.memory_space<semaphore_mem>>) src(%arg7 : memref<80x128xf32, #tpu.memory_space<vmem>>) dst(%dma_wait3A_520 : memref<10240x128xf32, #tpu.memory_space<vmem_shared>>)
      %add3A_521 = arith.constant 2 : i32
      %add3A_522 = arith.addi %add3A_501, %add3A_521 : i32
      %mul3A_523 = arith.constant 80 : i32
      %mul3A_524 = arith.muli %add3A_522, %mul3A_523 : i32
      %add3A_525 = arith.addi %mul3A_4, %mul3A_524 : i32
      %dma_start3A_526 = arith.constant 0 : i32
      %dma_start3A_527 = tpu.memref_slice %arg2[%add3A_525, %dma_start3A_526] : memref<320000x128xf32, #tpu.memory_space<hbm>> -> memref<80x128xf32, #tpu.memory_space<hbm>>
      %dma_start3A_528 = arith.constant 0 : i32
      %dma_start3A_529 = tpu.memref_slice %arg2[%add3A_525, %dma_start3A_528] : memref<320000x128xf32, #tpu.memory_space<hbm>> -> memref<80x128xf32, #tpu.memory_space<hbm>>
      tpu.enqueue_dma source(%dma_start3A_529 : memref<80x128xf32, #tpu.memory_space<hbm>>) target(%arg7 : memref<80x128xf32, #tpu.memory_space<vmem>>) target_semaphore(%arg11 : memref<!tpu.dma_semaphore, #tpu.memory_space<semaphore_mem>>)
      %mul3A_530 = arith.constant 12 : i32
      %mul3A_531 = arith.muli %mul3A_530, %scan3A_257 : i32
      %add3A_532 = arith.constant 1 : i32
      %add3A_533 = arith.addi %add3A_532, %mul3A_531 : i32
      %add3A_534 = arith.constant 8 : i32
      %add3A_535 = arith.addi %add3A_533, %add3A_534 : i32
      %dma_wait3A_536 = arith.constant 0 : i32
      %dma_wait3A_537 = arith.constant 0 : i32
      %dma_wait3A_538 = tpu.memref_slice %arg2[%dma_wait3A_536, %dma_wait3A_537] : memref<320000x128xf32, #tpu.memory_space<hbm>> -> memref<80x128xf32, #tpu.memory_space<hbm>>
      %dma_wait3A_539 = arith.constant 0 : i32
      %dma_wait3A_540 = arith.constant 0 : i32
      %dma_wait3A_541 = tpu.memref_slice %arg2[%dma_wait3A_539, %dma_wait3A_540] : memref<320000x128xf32, #tpu.memory_space<hbm>> -> memref<80x128xf32, #tpu.memory_space<hbm>>
      tpu.wait_dma2 semaphore(%arg10 : memref<!tpu.dma_semaphore, #tpu.memory_space<semaphore_mem>>) src(%dma_wait3A_541 : memref<80x128xf32, #tpu.memory_space<hbm>>) dst(%arg6 : memref<80x128xf32, #tpu.memory_space<vmem>>)
      %dma_start3A_542 = arith.constant 0 : i32
      %dma_start3A_543 = tpu.memref_slice %arg5[%add3A_535, %dma_start3A_542] : memref<125x80xi32, #tpu.memory_space<vmem>> -> memref<1x80xi32, #tpu.memory_space<vmem>>
      %dma_start3A_544 = tpu.memref_squeeze %dma_start3A_543 : memref<1x80xi32, #tpu.memory_space<vmem>> -> memref<80xi32, #tpu.memory_space<vmem>>
      %dma_start3A_545 = arith.constant 0 : i32
      %dma_start3A_546 = arith.constant 0 : i32
      %dma_start3A_547 = tpu.memref_slice %arg9[%dma_start3A_545, %dma_start3A_546] : memref<10240x128xf32, #tpu.memory_space<vmem_shared>> -> memref<10240x128xf32, #tpu.memory_space<vmem_shared>>
      tpu.enqueue_indirect_dma source(%arg6 : memref<80x128xf32, #tpu.memory_space<vmem>>) target(%dma_start3A_547 : memref<10240x128xf32, #tpu.memory_space<vmem_shared>>) offsets(%dma_start3A_544 : memref<80xi32, #tpu.memory_space<vmem>>) semaphore(%arg13 : memref<!tpu.dma_semaphore, #tpu.memory_space<semaphore_mem>>) {add = true}
      %dma_wait3A_548 = arith.constant 0 : i32
      %dma_wait3A_549 = arith.constant 0 : i32
      %dma_wait3A_550 = tpu.memref_slice %arg5[%dma_wait3A_548, %dma_wait3A_549] : memref<125x80xi32, #tpu.memory_space<vmem>> -> memref<1x80xi32, #tpu.memory_space<vmem>>
      %dma_wait3A_551 = tpu.memref_squeeze %dma_wait3A_550 : memref<1x80xi32, #tpu.memory_space<vmem>> -> memref<80xi32, #tpu.memory_space<vmem>>
      %dma_wait3A_552 = arith.constant 0 : i32
      %dma_wait3A_553 = arith.constant 0 : i32
      %dma_wait3A_554 = tpu.memref_slice %arg9[%dma_wait3A_552, %dma_wait3A_553] : memref<10240x128xf32, #tpu.memory_space<vmem_shared>> -> memref<10240x128xf32, #tpu.memory_space<vmem_shared>>
      tpu.wait_indirect_dma semaphore(%arg15 : memref<!tpu.dma_semaphore, #tpu.memory_space<semaphore_mem>>) src(%arg8 : memref<80x128xf32, #tpu.memory_space<vmem>>) dst(%dma_wait3A_554 : memref<10240x128xf32, #tpu.memory_space<vmem_shared>>)
      %add3A_555 = arith.constant 2 : i32
      %add3A_556 = arith.addi %add3A_535, %add3A_555 : i32
      %mul3A_557 = arith.constant 80 : i32
      %mul3A_558 = arith.muli %add3A_556, %mul3A_557 : i32
      %add3A_559 = arith.addi %mul3A_4, %mul3A_558 : i32
      %dma_start3A_560 = arith.constant 0 : i32
      %dma_start3A_561 = tpu.memref_slice %arg2[%add3A_559, %dma_start3A_560] : memref<320000x128xf32, #tpu.memory_space<hbm>> -> memref<80x128xf32, #tpu.memory_space<hbm>>
      %dma_start3A_562 = arith.constant 0 : i32
      %dma_start3A_563 = tpu.memref_slice %arg2[%add3A_559, %dma_start3A_562] : memref<320000x128xf32, #tpu.memory_space<hbm>> -> memref<80x128xf32, #tpu.memory_space<hbm>>
      tpu.enqueue_dma source(%dma_start3A_563 : memref<80x128xf32, #tpu.memory_space<hbm>>) target(%arg8 : memref<80x128xf32, #tpu.memory_space<vmem>>) target_semaphore(%arg12 : memref<!tpu.dma_semaphore, #tpu.memory_space<semaphore_mem>>)
      %mul3A_564 = arith.constant 12 : i32
      %mul3A_565 = arith.muli %mul3A_564, %scan3A_257 : i32
      %add3A_566 = arith.constant 1 : i32
      %add3A_567 = arith.addi %add3A_566, %mul3A_565 : i32
      %add3A_568 = arith.constant 9 : i32
      %add3A_569 = arith.addi %add3A_567, %add3A_568 : i32
      %dma_wait3A_570 = arith.constant 0 : i32
      %dma_wait3A_571 = arith.constant 0 : i32
      %dma_wait3A_572 = tpu.memref_slice %arg2[%dma_wait3A_570, %dma_wait3A_571] : memref<320000x128xf32, #tpu.memory_space<hbm>> -> memref<80x128xf32, #tpu.memory_space<hbm>>
      %dma_wait3A_573 = arith.constant 0 : i32
      %dma_wait3A_574 = arith.constant 0 : i32
      %dma_wait3A_575 = tpu.memref_slice %arg2[%dma_wait3A_573, %dma_wait3A_574] : memref<320000x128xf32, #tpu.memory_space<hbm>> -> memref<80x128xf32, #tpu.memory_space<hbm>>
      tpu.wait_dma2 semaphore(%arg11 : memref<!tpu.dma_semaphore, #tpu.memory_space<semaphore_mem>>) src(%dma_wait3A_575 : memref<80x128xf32, #tpu.memory_space<hbm>>) dst(%arg7 : memref<80x128xf32, #tpu.memory_space<vmem>>)
      %dma_start3A_576 = arith.constant 0 : i32
      %dma_start3A_577 = tpu.memref_slice %arg5[%add3A_569, %dma_start3A_576] : memref<125x80xi32, #tpu.memory_space<vmem>> -> memref<1x80xi32, #tpu.memory_space<vmem>>
      %dma_start3A_578 = tpu.memref_squeeze %dma_start3A_577 : memref<1x80xi32, #tpu.memory_space<vmem>> -> memref<80xi32, #tpu.memory_space<vmem>>
      %dma_start3A_579 = arith.constant 0 : i32
      %dma_start3A_580 = arith.constant 0 : i32
      %dma_start3A_581 = tpu.memref_slice %arg9[%dma_start3A_579, %dma_start3A_580] : memref<10240x128xf32, #tpu.memory_space<vmem_shared>> -> memref<10240x128xf32, #tpu.memory_space<vmem_shared>>
      tpu.enqueue_indirect_dma source(%arg7 : memref<80x128xf32, #tpu.memory_space<vmem>>) target(%dma_start3A_581 : memref<10240x128xf32, #tpu.memory_space<vmem_shared>>) offsets(%dma_start3A_578 : memref<80xi32, #tpu.memory_space<vmem>>) semaphore(%arg14 : memref<!tpu.dma_semaphore, #tpu.memory_space<semaphore_mem>>) {add = true}
      %dma_wait3A_582 = arith.constant 0 : i32
      %dma_wait3A_583 = arith.constant 0 : i32
      %dma_wait3A_584 = tpu.memref_slice %arg5[%dma_wait3A_582, %dma_wait3A_583] : memref<125x80xi32, #tpu.memory_space<vmem>> -> memref<1x80xi32, #tpu.memory_space<vmem>>
      %dma_wait3A_585 = tpu.memref_squeeze %dma_wait3A_584 : memref<1x80xi32, #tpu.memory_space<vmem>> -> memref<80xi32, #tpu.memory_space<vmem>>
      %dma_wait3A_586 = arith.constant 0 : i32
      %dma_wait3A_587 = arith.constant 0 : i32
      %dma_wait3A_588 = tpu.memref_slice %arg9[%dma_wait3A_586, %dma_wait3A_587] : memref<10240x128xf32, #tpu.memory_space<vmem_shared>> -> memref<10240x128xf32, #tpu.memory_space<vmem_shared>>
      tpu.wait_indirect_dma semaphore(%arg13 : memref<!tpu.dma_semaphore, #tpu.memory_space<semaphore_mem>>) src(%arg6 : memref<80x128xf32, #tpu.memory_space<vmem>>) dst(%dma_wait3A_588 : memref<10240x128xf32, #tpu.memory_space<vmem_shared>>)
      %add3A_589 = arith.constant 2 : i32
      %add3A_590 = arith.addi %add3A_569, %add3A_589 : i32
      %mul3A_591 = arith.constant 80 : i32
      %mul3A_592 = arith.muli %add3A_590, %mul3A_591 : i32
      %add3A_593 = arith.addi %mul3A_4, %mul3A_592 : i32
      %dma_start3A_594 = arith.constant 0 : i32
      %dma_start3A_595 = tpu.memref_slice %arg2[%add3A_593, %dma_start3A_594] : memref<320000x128xf32, #tpu.memory_space<hbm>> -> memref<80x128xf32, #tpu.memory_space<hbm>>
      %dma_start3A_596 = arith.constant 0 : i32
      %dma_start3A_597 = tpu.memref_slice %arg2[%add3A_593, %dma_start3A_596] : memref<320000x128xf32, #tpu.memory_space<hbm>> -> memref<80x128xf32, #tpu.memory_space<hbm>>
      tpu.enqueue_dma source(%dma_start3A_597 : memref<80x128xf32, #tpu.memory_space<hbm>>) target(%arg6 : memref<80x128xf32, #tpu.memory_space<vmem>>) target_semaphore(%arg10 : memref<!tpu.dma_semaphore, #tpu.memory_space<semaphore_mem>>)
      %mul3A_598 = arith.constant 12 : i32
      %mul3A_599 = arith.muli %mul3A_598, %scan3A_257 : i32
      %add3A_600 = arith.constant 1 : i32
      %add3A_601 = arith.addi %add3A_600, %mul3A_599 : i32
      %add3A_602 = arith.constant 10 : i32
      %add3A_603 = arith.addi %add3A_601, %add3A_602 : i32
      %dma_wait3A_604 = arith.constant 0 : i32
      %dma_wait3A_605 = arith.constant 0 : i32
      %dma_wait3A_606 = tpu.memref_slice %arg2[%dma_wait3A_604, %dma_wait3A_605] : memref<320000x128xf32, #tpu.memory_space<hbm>> -> memref<80x128xf32, #tpu.memory_space<hbm>>
      %dma_wait3A_607 = arith.constant 0 : i32
      %dma_wait3A_608 = arith.constant 0 : i32
      %dma_wait3A_609 = tpu.memref_slice %arg2[%dma_wait3A_607, %dma_wait3A_608] : memref<320000x128xf32, #tpu.memory_space<hbm>> -> memref<80x128xf32, #tpu.memory_space<hbm>>
      tpu.wait_dma2 semaphore(%arg12 : memref<!tpu.dma_semaphore, #tpu.memory_space<semaphore_mem>>) src(%dma_wait3A_609 : memref<80x128xf32, #tpu.memory_space<hbm>>) dst(%arg8 : memref<80x128xf32, #tpu.memory_space<vmem>>)
      %dma_start3A_610 = arith.constant 0 : i32
      %dma_start3A_611 = tpu.memref_slice %arg5[%add3A_603, %dma_start3A_610] : memref<125x80xi32, #tpu.memory_space<vmem>> -> memref<1x80xi32, #tpu.memory_space<vmem>>
      %dma_start3A_612 = tpu.memref_squeeze %dma_start3A_611 : memref<1x80xi32, #tpu.memory_space<vmem>> -> memref<80xi32, #tpu.memory_space<vmem>>
      %dma_start3A_613 = arith.constant 0 : i32
      %dma_start3A_614 = arith.constant 0 : i32
      %dma_start3A_615 = tpu.memref_slice %arg9[%dma_start3A_613, %dma_start3A_614] : memref<10240x128xf32, #tpu.memory_space<vmem_shared>> -> memref<10240x128xf32, #tpu.memory_space<vmem_shared>>
      tpu.enqueue_indirect_dma source(%arg8 : memref<80x128xf32, #tpu.memory_space<vmem>>) target(%dma_start3A_615 : memref<10240x128xf32, #tpu.memory_space<vmem_shared>>) offsets(%dma_start3A_612 : memref<80xi32, #tpu.memory_space<vmem>>) semaphore(%arg15 : memref<!tpu.dma_semaphore, #tpu.memory_space<semaphore_mem>>) {add = true}
      %dma_wait3A_616 = arith.constant 0 : i32
      %dma_wait3A_617 = arith.constant 0 : i32
      %dma_wait3A_618 = tpu.memref_slice %arg5[%dma_wait3A_616, %dma_wait3A_617] : memref<125x80xi32, #tpu.memory_space<vmem>> -> memref<1x80xi32, #tpu.memory_space<vmem>>
      %dma_wait3A_619 = tpu.memref_squeeze %dma_wait3A_618 : memref<1x80xi32, #tpu.memory_space<vmem>> -> memref<80xi32, #tpu.memory_space<vmem>>
      %dma_wait3A_620 = arith.constant 0 : i32
      %dma_wait3A_621 = arith.constant 0 : i32
      %dma_wait3A_622 = tpu.memref_slice %arg9[%dma_wait3A_620, %dma_wait3A_621] : memref<10240x128xf32, #tpu.memory_space<vmem_shared>> -> memref<10240x128xf32, #tpu.memory_space<vmem_shared>>
      tpu.wait_indirect_dma semaphore(%arg14 : memref<!tpu.dma_semaphore, #tpu.memory_space<semaphore_mem>>) src(%arg7 : memref<80x128xf32, #tpu.memory_space<vmem>>) dst(%dma_wait3A_622 : memref<10240x128xf32, #tpu.memory_space<vmem_shared>>)
      %add3A_623 = arith.constant 2 : i32
      %add3A_624 = arith.addi %add3A_603, %add3A_623 : i32
      %mul3A_625 = arith.constant 80 : i32
      %mul3A_626 = arith.muli %add3A_624, %mul3A_625 : i32
      %add3A_627 = arith.addi %mul3A_4, %mul3A_626 : i32
      %dma_start3A_628 = arith.constant 0 : i32
      %dma_start3A_629 = tpu.memref_slice %arg2[%add3A_627, %dma_start3A_628] : memref<320000x128xf32, #tpu.memory_space<hbm>> -> memref<80x128xf32, #tpu.memory_space<hbm>>
      %dma_start3A_630 = arith.constant 0 : i32
      %dma_start3A_631 = tpu.memref_slice %arg2[%add3A_627, %dma_start3A_630] : memref<320000x128xf32, #tpu.memory_space<hbm>> -> memref<80x128xf32, #tpu.memory_space<hbm>>
      tpu.enqueue_dma source(%dma_start3A_631 : memref<80x128xf32, #tpu.memory_space<hbm>>) target(%arg7 : memref<80x128xf32, #tpu.memory_space<vmem>>) target_semaphore(%arg11 : memref<!tpu.dma_semaphore, #tpu.memory_space<semaphore_mem>>)
      %mul3A_632 = arith.constant 12 : i32
      %mul3A_633 = arith.muli %mul3A_632, %scan3A_257 : i32
      %add3A_634 = arith.constant 1 : i32
      %add3A_635 = arith.addi %add3A_634, %mul3A_633 : i32
      %add3A_636 = arith.constant 11 : i32
      %add3A_637 = arith.addi %add3A_635, %add3A_636 : i32
      %dma_wait3A_638 = arith.constant 0 : i32
      %dma_wait3A_639 = arith.constant 0 : i32
      %dma_wait3A_640 = tpu.memref_slice %arg2[%dma_wait3A_638, %dma_wait3A_639] : memref<320000x128xf32, #tpu.memory_space<hbm>> -> memref<80x128xf32, #tpu.memory_space<hbm>>
      %dma_wait3A_641 = arith.constant 0 : i32
      %dma_wait3A_642 = arith.constant 0 : i32
      %dma_wait3A_643 = tpu.memref_slice %arg2[%dma_wait3A_641, %dma_wait3A_642] : memref<320000x128xf32, #tpu.memory_space<hbm>> -> memref<80x128xf32, #tpu.memory_space<hbm>>
      tpu.wait_dma2 semaphore(%arg10 : memref<!tpu.dma_semaphore, #tpu.memory_space<semaphore_mem>>) src(%dma_wait3A_643 : memref<80x128xf32, #tpu.memory_space<hbm>>) dst(%arg6 : memref<80x128xf32, #tpu.memory_space<vmem>>)
      %dma_start3A_644 = arith.constant 0 : i32
      %dma_start3A_645 = tpu.memref_slice %arg5[%add3A_637, %dma_start3A_644] : memref<125x80xi32, #tpu.memory_space<vmem>> -> memref<1x80xi32, #tpu.memory_space<vmem>>
      %dma_start3A_646 = tpu.memref_squeeze %dma_start3A_645 : memref<1x80xi32, #tpu.memory_space<vmem>> -> memref<80xi32, #tpu.memory_space<vmem>>
      %dma_start3A_647 = arith.constant 0 : i32
      %dma_start3A_648 = arith.constant 0 : i32
      %dma_start3A_649 = tpu.memref_slice %arg9[%dma_start3A_647, %dma_start3A_648] : memref<10240x128xf32, #tpu.memory_space<vmem_shared>> -> memref<10240x128xf32, #tpu.memory_space<vmem_shared>>
      tpu.enqueue_indirect_dma source(%arg6 : memref<80x128xf32, #tpu.memory_space<vmem>>) target(%dma_start3A_649 : memref<10240x128xf32, #tpu.memory_space<vmem_shared>>) offsets(%dma_start3A_646 : memref<80xi32, #tpu.memory_space<vmem>>) semaphore(%arg13 : memref<!tpu.dma_semaphore, #tpu.memory_space<semaphore_mem>>) {add = true}
      %dma_wait3A_650 = arith.constant 0 : i32
      %dma_wait3A_651 = arith.constant 0 : i32
      %dma_wait3A_652 = tpu.memref_slice %arg5[%dma_wait3A_650, %dma_wait3A_651] : memref<125x80xi32, #tpu.memory_space<vmem>> -> memref<1x80xi32, #tpu.memory_space<vmem>>
      %dma_wait3A_653 = tpu.memref_squeeze %dma_wait3A_652 : memref<1x80xi32, #tpu.memory_space<vmem>> -> memref<80xi32, #tpu.memory_space<vmem>>
      %dma_wait3A_654 = arith.constant 0 : i32
      %dma_wait3A_655 = arith.constant 0 : i32
      %dma_wait3A_656 = tpu.memref_slice %arg9[%dma_wait3A_654, %dma_wait3A_655] : memref<10240x128xf32, #tpu.memory_space<vmem_shared>> -> memref<10240x128xf32, #tpu.memory_space<vmem_shared>>
      tpu.wait_indirect_dma semaphore(%arg15 : memref<!tpu.dma_semaphore, #tpu.memory_space<semaphore_mem>>) src(%arg8 : memref<80x128xf32, #tpu.memory_space<vmem>>) dst(%dma_wait3A_656 : memref<10240x128xf32, #tpu.memory_space<vmem_shared>>)
      %add3A_657 = arith.constant 2 : i32
      %add3A_658 = arith.addi %add3A_637, %add3A_657 : i32
      %mul3A_659 = arith.constant 80 : i32
      %mul3A_660 = arith.muli %add3A_658, %mul3A_659 : i32
      %add3A_661 = arith.addi %mul3A_4, %mul3A_660 : i32
      %dma_start3A_662 = arith.constant 0 : i32
      %dma_start3A_663 = tpu.memref_slice %arg2[%add3A_661, %dma_start3A_662] : memref<320000x128xf32, #tpu.memory_space<hbm>> -> memref<80x128xf32, #tpu.memory_space<hbm>>
      %dma_start3A_664 = arith.constant 0 : i32
      %dma_start3A_665 = tpu.memref_slice %arg2[%add3A_661, %dma_start3A_664] : memref<320000x128xf32, #tpu.memory_space<hbm>> -> memref<80x128xf32, #tpu.memory_space<hbm>>
      tpu.enqueue_dma source(%dma_start3A_665 : memref<80x128xf32, #tpu.memory_space<hbm>>) target(%arg8 : memref<80x128xf32, #tpu.memory_space<vmem>>) target_semaphore(%arg12 : memref<!tpu.dma_semaphore, #tpu.memory_space<semaphore_mem>>)
    }
    %scan3A_156 = arith.constant 10 : i32
    %dma_wait3A_157 = arith.constant 0 : i32
    %dma_wait3A_158 = arith.constant 0 : i32
    %dma_wait3A_159 = tpu.memref_slice %arg2[%dma_wait3A_157, %dma_wait3A_158] : memref<320000x128xf32, #tpu.memory_space<hbm>> -> memref<80x128xf32, #tpu.memory_space<hbm>>
    %dma_wait3A_160 = arith.constant 0 : i32
    %dma_wait3A_161 = arith.constant 0 : i32
    %dma_wait3A_162 = tpu.memref_slice %arg2[%dma_wait3A_160, %dma_wait3A_161] : memref<320000x128xf32, #tpu.memory_space<hbm>> -> memref<80x128xf32, #tpu.memory_space<hbm>>
    tpu.wait_dma2 semaphore(%arg11 : memref<!tpu.dma_semaphore, #tpu.memory_space<semaphore_mem>>) src(%dma_wait3A_162 : memref<80x128xf32, #tpu.memory_space<hbm>>) dst(%arg7 : memref<80x128xf32, #tpu.memory_space<vmem>>)
    %dma_start3A_163 = arith.constant 121 : i32
    %dma_start3A_164 = arith.constant 0 : i32
    %dma_start3A_165 = tpu.memref_slice %arg5[%dma_start3A_163, %dma_start3A_164] : memref<125x80xi32, #tpu.memory_space<vmem>> -> memref<1x80xi32, #tpu.memory_space<vmem>>
    %dma_start3A_166 = tpu.memref_squeeze %dma_start3A_165 : memref<1x80xi32, #tpu.memory_space<vmem>> -> memref<80xi32, #tpu.memory_space<vmem>>
    %dma_start3A_167 = arith.constant 0 : i32
    %dma_start3A_168 = arith.constant 0 : i32
    %dma_start3A_169 = tpu.memref_slice %arg9[%dma_start3A_167, %dma_start3A_168] : memref<10240x128xf32, #tpu.memory_space<vmem_shared>> -> memref<10240x128xf32, #tpu.memory_space<vmem_shared>>
    tpu.enqueue_indirect_dma source(%arg7 : memref<80x128xf32, #tpu.memory_space<vmem>>) target(%dma_start3A_169 : memref<10240x128xf32, #tpu.memory_space<vmem_shared>>) offsets(%dma_start3A_166 : memref<80xi32, #tpu.memory_space<vmem>>) semaphore(%arg14 : memref<!tpu.dma_semaphore, #tpu.memory_space<semaphore_mem>>) {add = true}
    %dma_wait3A_170 = arith.constant 0 : i32
    %dma_wait3A_171 = arith.constant 0 : i32
    %dma_wait3A_172 = tpu.memref_slice %arg5[%dma_wait3A_170, %dma_wait3A_171] : memref<125x80xi32, #tpu.memory_space<vmem>> -> memref<1x80xi32, #tpu.memory_space<vmem>>
    %dma_wait3A_173 = tpu.memref_squeeze %dma_wait3A_172 : memref<1x80xi32, #tpu.memory_space<vmem>> -> memref<80xi32, #tpu.memory_space<vmem>>
    %dma_wait3A_174 = arith.constant 0 : i32
    %dma_wait3A_175 = arith.constant 0 : i32
    %dma_wait3A_176 = tpu.memref_slice %arg9[%dma_wait3A_174, %dma_wait3A_175] : memref<10240x128xf32, #tpu.memory_space<vmem_shared>> -> memref<10240x128xf32, #tpu.memory_space<vmem_shared>>
    tpu.wait_indirect_dma semaphore(%arg13 : memref<!tpu.dma_semaphore, #tpu.memory_space<semaphore_mem>>) src(%arg6 : memref<80x128xf32, #tpu.memory_space<vmem>>) dst(%dma_wait3A_176 : memref<10240x128xf32, #tpu.memory_space<vmem_shared>>)
    %add3A_177 = arith.constant 9840 : i32
    %add3A_178 = arith.addi %mul3A_4, %add3A_177 : i32
    %dma_start3A_179 = arith.constant 0 : i32
    %dma_start3A_180 = tpu.memref_slice %arg2[%add3A_178, %dma_start3A_179] : memref<320000x128xf32, #tpu.memory_space<hbm>> -> memref<80x128xf32, #tpu.memory_space<hbm>>
    %dma_start3A_181 = arith.constant 0 : i32
    %dma_start3A_182 = tpu.memref_slice %arg2[%add3A_178, %dma_start3A_181] : memref<320000x128xf32, #tpu.memory_space<hbm>> -> memref<80x128xf32, #tpu.memory_space<hbm>>
    tpu.enqueue_dma source(%dma_start3A_182 : memref<80x128xf32, #tpu.memory_space<hbm>>) target(%arg6 : memref<80x128xf32, #tpu.memory_space<vmem>>) target_semaphore(%arg10 : memref<!tpu.dma_semaphore, #tpu.memory_space<semaphore_mem>>)
    %dma_wait3A_183 = arith.constant 0 : i32
    %dma_wait3A_184 = arith.constant 0 : i32
    %dma_wait3A_185 = tpu.memref_slice %arg2[%dma_wait3A_183, %dma_wait3A_184] : memref<320000x128xf32, #tpu.memory_space<hbm>> -> memref<80x128xf32, #tpu.memory_space<hbm>>
    %dma_wait3A_186 = arith.constant 0 : i32
    %dma_wait3A_187 = arith.constant 0 : i32
    %dma_wait3A_188 = tpu.memref_slice %arg2[%dma_wait3A_186, %dma_wait3A_187] : memref<320000x128xf32, #tpu.memory_space<hbm>> -> memref<80x128xf32, #tpu.memory_space<hbm>>
    tpu.wait_dma2 semaphore(%arg12 : memref<!tpu.dma_semaphore, #tpu.memory_space<semaphore_mem>>) src(%dma_wait3A_188 : memref<80x128xf32, #tpu.memory_space<hbm>>) dst(%arg8 : memref<80x128xf32, #tpu.memory_space<vmem>>)
    %dma_start3A_189 = arith.constant 122 : i32
    %dma_start3A_190 = arith.constant 0 : i32
    %dma_start3A_191 = tpu.memref_slice %arg5[%dma_start3A_189, %dma_start3A_190] : memref<125x80xi32, #tpu.memory_space<vmem>> -> memref<1x80xi32, #tpu.memory_space<vmem>>
    %dma_start3A_192 = tpu.memref_squeeze %dma_start3A_191 : memref<1x80xi32, #tpu.memory_space<vmem>> -> memref<80xi32, #tpu.memory_space<vmem>>
    %dma_start3A_193 = arith.constant 0 : i32
    %dma_start3A_194 = arith.constant 0 : i32
    %dma_start3A_195 = tpu.memref_slice %arg9[%dma_start3A_193, %dma_start3A_194] : memref<10240x128xf32, #tpu.memory_space<vmem_shared>> -> memref<10240x128xf32, #tpu.memory_space<vmem_shared>>
    tpu.enqueue_indirect_dma source(%arg8 : memref<80x128xf32, #tpu.memory_space<vmem>>) target(%dma_start3A_195 : memref<10240x128xf32, #tpu.memory_space<vmem_shared>>) offsets(%dma_start3A_192 : memref<80xi32, #tpu.memory_space<vmem>>) semaphore(%arg15 : memref<!tpu.dma_semaphore, #tpu.memory_space<semaphore_mem>>) {add = true}
    %dma_wait3A_196 = arith.constant 0 : i32
    %dma_wait3A_197 = arith.constant 0 : i32
    %dma_wait3A_198 = tpu.memref_slice %arg5[%dma_wait3A_196, %dma_wait3A_197] : memref<125x80xi32, #tpu.memory_space<vmem>> -> memref<1x80xi32, #tpu.memory_space<vmem>>
    %dma_wait3A_199 = tpu.memref_squeeze %dma_wait3A_198 : memref<1x80xi32, #tpu.memory_space<vmem>> -> memref<80xi32, #tpu.memory_space<vmem>>
    %dma_wait3A_200 = arith.constant 0 : i32
    %dma_wait3A_201 = arith.constant 0 : i32
    %dma_wait3A_202 = tpu.memref_slice %arg9[%dma_wait3A_200, %dma_wait3A_201] : memref<10240x128xf32, #tpu.memory_space<vmem_shared>> -> memref<10240x128xf32, #tpu.memory_space<vmem_shared>>
    tpu.wait_indirect_dma semaphore(%arg14 : memref<!tpu.dma_semaphore, #tpu.memory_space<semaphore_mem>>) src(%arg7 : memref<80x128xf32, #tpu.memory_space<vmem>>) dst(%dma_wait3A_202 : memref<10240x128xf32, #tpu.memory_space<vmem_shared>>)
    %add3A_203 = arith.constant 9920 : i32
    %add3A_204 = arith.addi %mul3A_4, %add3A_203 : i32
    %dma_start3A_205 = arith.constant 0 : i32
    %dma_start3A_206 = tpu.memref_slice %arg2[%add3A_204, %dma_start3A_205] : memref<320000x128xf32, #tpu.memory_space<hbm>> -> memref<80x128xf32, #tpu.memory_space<hbm>>
    %dma_start3A_207 = arith.constant 0 : i32
    %dma_start3A_208 = tpu.memref_slice %arg2[%add3A_204, %dma_start3A_207] : memref<320000x128xf32, #tpu.memory_space<hbm>> -> memref<80x128xf32, #tpu.memory_space<hbm>>
    tpu.enqueue_dma source(%dma_start3A_208 : memref<80x128xf32, #tpu.memory_space<hbm>>) target(%arg7 : memref<80x128xf32, #tpu.memory_space<vmem>>) target_semaphore(%arg11 : memref<!tpu.dma_semaphore, #tpu.memory_space<semaphore_mem>>)
    %dma_wait3A_209 = arith.constant 0 : i32
    %dma_wait3A_210 = arith.constant 0 : i32
    %dma_wait3A_211 = tpu.memref_slice %arg2[%dma_wait3A_209, %dma_wait3A_210] : memref<320000x128xf32, #tpu.memory_space<hbm>> -> memref<80x128xf32, #tpu.memory_space<hbm>>
    %dma_wait3A_212 = arith.constant 0 : i32
    %dma_wait3A_213 = arith.constant 0 : i32
    %dma_wait3A_214 = tpu.memref_slice %arg2[%dma_wait3A_212, %dma_wait3A_213] : memref<320000x128xf32, #tpu.memory_space<hbm>> -> memref<80x128xf32, #tpu.memory_space<hbm>>
    tpu.wait_dma2 semaphore(%arg10 : memref<!tpu.dma_semaphore, #tpu.memory_space<semaphore_mem>>) src(%dma_wait3A_214 : memref<80x128xf32, #tpu.memory_space<hbm>>) dst(%arg6 : memref<80x128xf32, #tpu.memory_space<vmem>>)
    %dma_start3A_215 = arith.constant 123 : i32
    %dma_start3A_216 = arith.constant 0 : i32
    %dma_start3A_217 = tpu.memref_slice %arg5[%dma_start3A_215, %dma_start3A_216] : memref<125x80xi32, #tpu.memory_space<vmem>> -> memref<1x80xi32, #tpu.memory_space<vmem>>
    %dma_start3A_218 = tpu.memref_squeeze %dma_start3A_217 : memref<1x80xi32, #tpu.memory_space<vmem>> -> memref<80xi32, #tpu.memory_space<vmem>>
    %dma_start3A_219 = arith.constant 0 : i32
    %dma_start3A_220 = arith.constant 0 : i32
    %dma_start3A_221 = tpu.memref_slice %arg9[%dma_start3A_219, %dma_start3A_220] : memref<10240x128xf32, #tpu.memory_space<vmem_shared>> -> memref<10240x128xf32, #tpu.memory_space<vmem_shared>>
    tpu.enqueue_indirect_dma source(%arg6 : memref<80x128xf32, #tpu.memory_space<vmem>>) target(%dma_start3A_221 : memref<10240x128xf32, #tpu.memory_space<vmem_shared>>) offsets(%dma_start3A_218 : memref<80xi32, #tpu.memory_space<vmem>>) semaphore(%arg13 : memref<!tpu.dma_semaphore, #tpu.memory_space<semaphore_mem>>) {add = true}
    %dma_wait3A_222 = arith.constant 0 : i32
    %dma_wait3A_223 = arith.constant 0 : i32
    %dma_wait3A_224 = tpu.memref_slice %arg5[%dma_wait3A_222, %dma_wait3A_223] : memref<125x80xi32, #tpu.memory_space<vmem>> -> memref<1x80xi32, #tpu.memory_space<vmem>>
    %dma_wait3A_225 = tpu.memref_squeeze %dma_wait3A_224 : memref<1x80xi32, #tpu.memory_space<vmem>> -> memref<80xi32, #tpu.memory_space<vmem>>
    %dma_wait3A_226 = arith.constant 0 : i32
    %dma_wait3A_227 = arith.constant 0 : i32
    %dma_wait3A_228 = tpu.memref_slice %arg9[%dma_wait3A_226, %dma_wait3A_227] : memref<10240x128xf32, #tpu.memory_space<vmem_shared>> -> memref<10240x128xf32, #tpu.memory_space<vmem_shared>>
    tpu.wait_indirect_dma semaphore(%arg15 : memref<!tpu.dma_semaphore, #tpu.memory_space<semaphore_mem>>) src(%arg8 : memref<80x128xf32, #tpu.memory_space<vmem>>) dst(%dma_wait3A_228 : memref<10240x128xf32, #tpu.memory_space<vmem_shared>>)
    %dma_wait3A_229 = arith.constant 0 : i32
    %dma_wait3A_230 = arith.constant 0 : i32
    %dma_wait3A_231 = tpu.memref_slice %arg2[%dma_wait3A_229, %dma_wait3A_230] : memref<320000x128xf32, #tpu.memory_space<hbm>> -> memref<80x128xf32, #tpu.memory_space<hbm>>
    %dma_wait3A_232 = arith.constant 0 : i32
    %dma_wait3A_233 = arith.constant 0 : i32
    %dma_wait3A_234 = tpu.memref_slice %arg2[%dma_wait3A_232, %dma_wait3A_233] : memref<320000x128xf32, #tpu.memory_space<hbm>> -> memref<80x128xf32, #tpu.memory_space<hbm>>
    tpu.wait_dma2 semaphore(%arg11 : memref<!tpu.dma_semaphore, #tpu.memory_space<semaphore_mem>>) src(%dma_wait3A_234 : memref<80x128xf32, #tpu.memory_space<hbm>>) dst(%arg7 : memref<80x128xf32, #tpu.memory_space<vmem>>)
    %dma_start3A_235 = arith.constant 124 : i32
    %dma_start3A_236 = arith.constant 0 : i32
    %dma_start3A_237 = tpu.memref_slice %arg5[%dma_start3A_235, %dma_start3A_236] : memref<125x80xi32, #tpu.memory_space<vmem>> -> memref<1x80xi32, #tpu.memory_space<vmem>>
    %dma_start3A_238 = tpu.memref_squeeze %dma_start3A_237 : memref<1x80xi32, #tpu.memory_space<vmem>> -> memref<80xi32, #tpu.memory_space<vmem>>
    %dma_start3A_239 = arith.constant 0 : i32
    %dma_start3A_240 = arith.constant 0 : i32
    %dma_start3A_241 = tpu.memref_slice %arg9[%dma_start3A_239, %dma_start3A_240] : memref<10240x128xf32, #tpu.memory_space<vmem_shared>> -> memref<10240x128xf32, #tpu.memory_space<vmem_shared>>
    tpu.enqueue_indirect_dma source(%arg7 : memref<80x128xf32, #tpu.memory_space<vmem>>) target(%dma_start3A_241 : memref<10240x128xf32, #tpu.memory_space<vmem_shared>>) offsets(%dma_start3A_238 : memref<80xi32, #tpu.memory_space<vmem>>) semaphore(%arg14 : memref<!tpu.dma_semaphore, #tpu.memory_space<semaphore_mem>>) {add = true}
    %dma_wait3A_242 = arith.constant 0 : i32
    %dma_wait3A_243 = arith.constant 0 : i32
    %dma_wait3A_244 = tpu.memref_slice %arg5[%dma_wait3A_242, %dma_wait3A_243] : memref<125x80xi32, #tpu.memory_space<vmem>> -> memref<1x80xi32, #tpu.memory_space<vmem>>
    %dma_wait3A_245 = tpu.memref_squeeze %dma_wait3A_244 : memref<1x80xi32, #tpu.memory_space<vmem>> -> memref<80xi32, #tpu.memory_space<vmem>>
    %dma_wait3A_246 = arith.constant 0 : i32
    %dma_wait3A_247 = arith.constant 0 : i32
    %dma_wait3A_248 = tpu.memref_slice %arg9[%dma_wait3A_246, %dma_wait3A_247] : memref<10240x128xf32, #tpu.memory_space<vmem_shared>> -> memref<10240x128xf32, #tpu.memory_space<vmem_shared>>
    tpu.wait_indirect_dma semaphore(%arg13 : memref<!tpu.dma_semaphore, #tpu.memory_space<semaphore_mem>>) src(%arg6 : memref<80x128xf32, #tpu.memory_space<vmem>>) dst(%dma_wait3A_248 : memref<10240x128xf32, #tpu.memory_space<vmem_shared>>)
    %dma_wait3A_249 = arith.constant 0 : i32
    %dma_wait3A_250 = arith.constant 0 : i32
    %dma_wait3A_251 = tpu.memref_slice %arg5[%dma_wait3A_249, %dma_wait3A_250] : memref<125x80xi32, #tpu.memory_space<vmem>> -> memref<1x80xi32, #tpu.memory_space<vmem>>
    %dma_wait3A_252 = tpu.memref_squeeze %dma_wait3A_251 : memref<1x80xi32, #tpu.memory_space<vmem>> -> memref<80xi32, #tpu.memory_space<vmem>>
    %dma_wait3A_253 = arith.constant 0 : i32
    %dma_wait3A_254 = arith.constant 0 : i32
    %dma_wait3A_255 = tpu.memref_slice %arg9[%dma_wait3A_253, %dma_wait3A_254] : memref<10240x128xf32, #tpu.memory_space<vmem_shared>> -> memref<10240x128xf32, #tpu.memory_space<vmem_shared>>
    tpu.wait_indirect_dma semaphore(%arg14 : memref<!tpu.dma_semaphore, #tpu.memory_space<semaphore_mem>>) src(%arg7 : memref<80x128xf32, #tpu.memory_space<vmem>>) dst(%dma_wait3A_255 : memref<10240x128xf32, #tpu.memory_space<vmem_shared>>)
    %barrier3A_256 = arith.constant 0 : index
    tpu.barrier barrier_id(%barrier3A_256)
    "tpu.region"() ({
      %run_scoped3A = tpu.sem_alloc : memref<!tpu.dma_semaphore, #tpu.memory_space<semaphore_mem>>
      %dma_start3A_257 = arith.constant 0 : i32
      %dma_start3A_258 = tpu.memref_slice %arg4[%arg0, %mul3A_30, %dma_start3A_257] : memref<2x10240x128xf32, #tpu.memory_space<hbm>> -> memref<1x640x128xf32, #tpu.memory_space<hbm>>
      %dma_start3A_259 = tpu.memref_squeeze %dma_start3A_258 : memref<1x640x128xf32, #tpu.memory_space<hbm>> -> memref<640x128xf32, #tpu.memory_space<hbm>>
      %dma_start3A_260 = arith.constant 0 : i32
      %dma_start3A_261 = tpu.memref_slice %arg9[%mul3A_30, %dma_start3A_260] : memref<10240x128xf32, #tpu.memory_space<vmem_shared>> -> memref<640x128xf32, #tpu.memory_space<vmem_shared>>
      tpu.enqueue_dma source(%dma_start3A_261 : memref<640x128xf32, #tpu.memory_space<vmem_shared>>) target(%dma_start3A_259 : memref<640x128xf32, #tpu.memory_space<hbm>>) target_semaphore(%run_scoped3A : memref<!tpu.dma_semaphore, #tpu.memory_space<semaphore_mem>>)
      %dma_wait3A_262 = arith.constant 0 : i32
      %dma_wait3A_263 = tpu.memref_slice %arg4[%arg0, %mul3A_30, %dma_wait3A_262] : memref<2x10240x128xf32, #tpu.memory_space<hbm>> -> memref<1x640x128xf32, #tpu.memory_space<hbm>>
      %dma_wait3A_264 = tpu.memref_squeeze %dma_wait3A_263 : memref<1x640x128xf32, #tpu.memory_space<hbm>> -> memref<640x128xf32, #tpu.memory_space<hbm>>
      %dma_wait3A_265 = arith.constant 0 : i32
      %dma_wait3A_266 = tpu.memref_slice %arg9[%mul3A_30, %dma_wait3A_265] : memref<10240x128xf32, #tpu.memory_space<vmem_shared>> -> memref<640x128xf32, #tpu.memory_space<vmem_shared>>
      tpu.wait_dma2 semaphore(%run_scoped3A : memref<!tpu.dma_semaphore, #tpu.memory_space<semaphore_mem>>) src(%dma_wait3A_266 : memref<640x128xf32, #tpu.memory_space<vmem_shared>>) dst(%dma_wait3A_264 : memref<640x128xf32, #tpu.memory_space<hbm>>)
      tpu.yield
    }) : () -> ()
    return
  }
}

module attributes {stable_mosaic.version = 14 : i64} {
  func.func @_mlp_body(%arg0: i32, %arg1: memref<2x1000x128xf32, #tpu.memory_space<vmem>>, %arg2: memref<1000x128xf32, #tpu.memory_space<vmem>>, %arg3: memref<128x128xf32, #tpu.memory_space<vmem>>, %arg4: memref<1x128xf32, #tpu.memory_space<vmem>>, %arg5: memref<128x128xf32, #tpu.memory_space<vmem>>, %arg6: memref<1x128xf32, #tpu.memory_space<vmem>>, %arg7: memref<1000x128xf32, #tpu.memory_space<vmem>>) attributes {dimension_semantics = [#tpu.dimension_semantics<arbitrary>], iteration_bounds = array<i64: 10>, scalar_prefetch = 0 : i64, scratch_operands = 0 : i64, tpu.core_type = #tpu.core_type<tc>, window_params = [{transform_indices = @transform_0, window_bounds = array<i64: 2, 1000, 128>}, {transform_indices = @transform_1, window_bounds = array<i64: 1000, 128>}, {pipeline_mode = #tpu.pipeline_mode<synchronous>, transform_indices = @transform_2, window_bounds = array<i64: 128, 128>}, {pipeline_mode = #tpu.pipeline_mode<synchronous>, transform_indices = @transform_3, window_bounds = array<i64: 1, 128>}, {pipeline_mode = #tpu.pipeline_mode<synchronous>, transform_indices = @transform_4, window_bounds = array<i64: 128, 128>}, {pipeline_mode = #tpu.pipeline_mode<synchronous>, transform_indices = @transform_5, window_bounds = array<i64: 1, 128>}, {transform_indices = @transform_6, window_bounds = array<i64: 1000, 128>}]} {
    %get3A = arith.constant 0 : index
    %get3A_0 = arith.constant 0 : index
    %get3A_1 = arith.constant 0 : index
    %get3A_2 = vector.load %arg1[%get3A, %get3A_0, %get3A_1] : memref<2x1000x128xf32, #tpu.memory_space<vmem>>, vector<1x1000x128xf32>
    %get3A_3 = vector.shape_cast %get3A_2 : vector<1x1000x128xf32> to vector<1000x128xf32>
    %get3A_4 = arith.constant 1 : index
    %get3A_5 = arith.constant 0 : index
    %get3A_6 = arith.constant 0 : index
    %get3A_7 = vector.load %arg1[%get3A_4, %get3A_5, %get3A_6] : memref<2x1000x128xf32, #tpu.memory_space<vmem>>, vector<1x1000x128xf32>
    %get3A_8 = vector.shape_cast %get3A_7 : vector<1x1000x128xf32> to vector<1000x128xf32>
    %add3A = arith.addf %get3A_3, %get3A_8 : vector<1000x128xf32>
    %get3A_9 = arith.constant 0 : index
    %get3A_10 = arith.constant 0 : index
    %get3A_11 = vector.load %arg3[%get3A_9, %get3A_10] : memref<128x128xf32, #tpu.memory_space<vmem>>, vector<128x128xf32>
    %dot_general3A = arith.constant dense<0.000000e+00> : vector<1000x128xf32>
    %dot_general3A_12 = tpu.matmul %add3A, %get3A_11, %dot_general3A {dimension_numbers = #tpu.dot_dimension_numbers<[1], [1], [0], [0], [0, 0, 1, 0], [], []>, transpose_lhs_hint = false} : vector<1000x128xf32>, vector<128x128xf32>, vector<1000x128xf32> -> vector<1000x128xf32>
    %get3A_13 = arith.constant 0 : index
    %get3A_14 = arith.constant 0 : index
    %get3A_15 = vector.load %arg4[%get3A_13, %get3A_14] : memref<1x128xf32, #tpu.memory_space<vmem>>, vector<1x128xf32>
    %add3A_16 = vector.broadcast %get3A_15 : vector<1x128xf32> to vector<1000x128xf32>
    %add3A_17 = arith.addf %dot_general3A_12, %add3A_16 : vector<1000x128xf32>
    %max3A = arith.constant 0.000000e+00 : f32
    %max3A_18 = vector.broadcast %max3A : f32 to vector<1000x128xf32>
    %max3A_19 = arith.maximumf %add3A_17, %max3A_18 : vector<1000x128xf32>
    %abs3A = math.absf %add3A_17 : vector<1000x128xf32>
    %neg3A = arith.constant 0.000000e+00 : f32
    %neg3A_20 = vector.broadcast %neg3A : f32 to vector<1000x128xf32>
    %neg3A_21 = arith.subf %neg3A_20, %abs3A : vector<1000x128xf32>
    %exp3A = math.exp %neg3A_21 : vector<1000x128xf32>
    %log1p3A = math.log1p %exp3A : vector<1000x128xf32>
    %add3A_22 = arith.addf %max3A_19, %log1p3A : vector<1000x128xf32>
    %sub3A = arith.constant 0.693147182 : f32
    %sub3A_23 = vector.broadcast %sub3A : f32 to vector<1000x128xf32>
    %sub3A_24 = arith.subf %add3A_22, %sub3A_23 : vector<1000x128xf32>
    %get3A_25 = arith.constant 0 : index
    %get3A_26 = arith.constant 0 : index
    %get3A_27 = vector.load %arg5[%get3A_25, %get3A_26] : memref<128x128xf32, #tpu.memory_space<vmem>>, vector<128x128xf32>
    %dot_general3A_28 = arith.constant dense<0.000000e+00> : vector<1000x128xf32>
    %dot_general3A_29 = tpu.matmul %sub3A_24, %get3A_27, %dot_general3A_28 {dimension_numbers = #tpu.dot_dimension_numbers<[1], [1], [0], [0], [0, 0, 1, 0], [], []>, transpose_lhs_hint = false} : vector<1000x128xf32>, vector<128x128xf32>, vector<1000x128xf32> -> vector<1000x128xf32>
    %get3A_30 = arith.constant 0 : index
    %get3A_31 = arith.constant 0 : index
    %get3A_32 = vector.load %arg6[%get3A_30, %get3A_31] : memref<1x128xf32, #tpu.memory_space<vmem>>, vector<1x128xf32>
    %add3A_33 = vector.broadcast %get3A_32 : vector<1x128xf32> to vector<1000x128xf32>
    %add3A_34 = arith.addf %dot_general3A_29, %add3A_33 : vector<1000x128xf32>
    %get3A_35 = arith.constant 0 : index
    %get3A_36 = arith.constant 0 : index
    %get3A_37 = vector.load %arg2[%get3A_35, %get3A_36] : memref<1000x128xf32, #tpu.memory_space<vmem>>, vector<1000x128xf32>
    %add3A_38 = arith.addf %get3A_37, %add3A_34 : vector<1000x128xf32>
    %swap3A = arith.constant 0 : index
    %swap3A_39 = arith.constant 0 : index
    %swap3A_40 = vector.load %arg7[%swap3A, %swap3A_39] : memref<1000x128xf32, #tpu.memory_space<vmem>>, vector<1000x128xf32>
    tpu.vector_store %arg7[%swap3A, %swap3A_39], %add3A_38 {strides = array<i32>} : memref<1000x128xf32, #tpu.memory_space<vmem>>, vector<1000x128xf32>,
    return
  }
  func.func @transform_0(%arg0: i32) -> (i32, i32, i32) {
    %c0_i32 = arith.constant 0 : i32
    %c0_i32_0 = arith.constant 0 : i32
    %c0_i32_1 = arith.constant 0 : i32
    return %c0_i32, %arg0, %c0_i32_0 : i32, i32, i32
  }
  func.func @transform_1(%arg0: i32) -> (i32, i32) {
    %c0_i32 = arith.constant 0 : i32
    %c0_i32_0 = arith.constant 0 : i32
    return %arg0, %c0_i32 : i32, i32
  }
  func.func @transform_2(%arg0: i32) -> (i32, i32) {
    %c0_i32 = arith.constant 0 : i32
    %c0_i32_0 = arith.constant 0 : i32
    %c0_i32_1 = arith.constant 0 : i32
    return %c0_i32, %c0_i32_0 : i32, i32
  }
  func.func @transform_3(%arg0: i32) -> (i32, i32) {
    %c0_i32 = arith.constant 0 : i32
    %c0_i32_0 = arith.constant 0 : i32
    %c0_i32_1 = arith.constant 0 : i32
    return %c0_i32, %c0_i32_0 : i32, i32
  }
  func.func @transform_4(%arg0: i32) -> (i32, i32) {
    %c0_i32 = arith.constant 0 : i32
    %c0_i32_0 = arith.constant 0 : i32
    %c0_i32_1 = arith.constant 0 : i32
    return %c0_i32, %c0_i32_0 : i32, i32
  }
  func.func @transform_5(%arg0: i32) -> (i32, i32) {
    %c0_i32 = arith.constant 0 : i32
    %c0_i32_0 = arith.constant 0 : i32
    %c0_i32_1 = arith.constant 0 : i32
    return %c0_i32, %c0_i32_0 : i32, i32
  }
  func.func @transform_6(%arg0: i32) -> (i32, i32) {
    %c0_i32 = arith.constant 0 : i32
    %c0_i32_0 = arith.constant 0 : i32
    return %arg0, %c0_i32 : i32, i32
  }
}

</mosaic_0001>

<sc_bundles>
// kernel: kernel.4.cloned.1.call-start
scs
__scs_entry_jumppad:
0x0: {  	(pc) =	sbr.rel $0x88, $3  }
0x1: {  	(tag) =	ssettag $0x0;
	lr =	simm.s32 $0x1  }
0x2: {  	[smem:$0x3F9A] =	sst lr;
	_ =	strace $0xD0000000  }
0x3: {  	_ = 	snop  }
0x4: {  	_ = 	snop  }
0x5: {  	_ = 	snop  }
0x6: {  	_ = 	snop  }
0x7: {  	_ = 	snop  }
__scs_overlays_trampoline_lowered:
0x8: {  	[smem:$0x3FA9] =	sst s0  }
0x9: {  	[smem:$0x3FAA] =	sst s1  }
0xa: {  	[smem:$0x3FAB] =	sst s2  }
0xb: {  	[smem:$0x3FAC] =	sst s3  }
0xc: {  	[smem:$0x3FAD] =	sst s4  }
0xd: {  	[smem:$0x3FAE] =	sst s5  }
0xe: {  	[smem:$0x3FAF] =	sst s6  }
0xf: {  	[smem:$0x3FB0] =	sst s7  }
0x10: {  	[smem:$0x3FB1] =	sst s8  }
0x11: {  	[smem:$0x3FB2] =	sst s9;
	s0 =	simm.s32 @!p0 $0x0  }
0x12: {  	s1 =	sld [smem:$0x3F98];
	s0 =	simm.s32 @p0 $0x1  }
0x13: {  	[smem:$0x3FB3] =	sst s0;
	s0 =	simm.s32 @!p1 $0x0  }
0x14: {  	s2 =	sld [smem:$0x3F97];
	s0 =	simm.s32 @p1 $0x1  }
0x15: {  	[smem:$0x3FB4] =	sst s0;
	s0 =	simm.s32 @!p2 $0x0  }
0x16: {  	s3 =	sld [smem:$0x3FDB];
	s0 =	simm.s32 @p2 $0x1  }
0x17: {  	s4 =	simm.s32 $0x1BF5;
	[smem:$0x3FB6] =	sst s0  }
0x18: {  	s0 =	sld [smem:$0x3F99];
	_ =	swait.ge [sflag:s4], $0x0  }
0x19: {  	s7 =	sld [smem:$0x3F9A]  }
0x1a: {  	s8 =	sadd.s32 $0xFFFFE003, lr  }
0x1b: {  	s9 =	sadd.s32 $0xFFFFFEF7, lr;
	s5 =	simm.s32 $0xFFFFFFFF;
	p2 =	slt.u32 s8, $0xFFFFF086  }
0x1c: {  	p1 =	slt.u32 s9, $0xF7A;
	s5 =	simm.s32 @!p2 $0x0  }
0x1d: {  	s5 =	simm.s32 @p1 $0x1;
	p0 =	seq.s32 s7, s2  }
0x1e: {  	s7 =	smul.u32 @!p0 $0xF7A, s2;
	p2 =	seq.s32 @!p0 s5, $0x0  }
0x1f: {  	s9 =	smul.u32 $0xF7A, s1;
	s8 =	simm.s32 @!p0 $0x1BF5;
	p2 =	por !p2, p0  }
0x20: {  	[sflag:s8] =	ssyncset.s32 @!p0 $0xFFFFF086;
	s6 =	sadd.s32 @!p0 s3, s7;
	s7 =	simm.s32 @!p0 $0x108  }
0x21: {  	s3 =	sadd.s32 s3, s9;
	s6 =	sadd.s32 @!p0 $0x88, s6;
	s7 =	simm.s32 @p2 $0x1082  }
0x22: {  	[simem:s7], [sflag:s8] =	dma.local @!p0 [hbm:s6], $0xF7A  }
0x23: {  	s9 =	sor.u32 $0xD0000000, s2;
	s6 =	simm.s32 $0x108;
	_ =	swait.ge @!p0 [sflag:s8], $0x0  }
0x24: {  	s3 =	sadd.s32 $0x88, s3;
	s6 =	simm.s32 @!p1 $0x1082;
	[sflag:s4] =	ssyncset.s32 $0xFFFFF086  }
0x25: {  	[simem:s6], [sflag:s4] =	dma.local [hbm:s3], $0xF7A  }
0x26: {  	[smem:$0x3F9A] =	sst s1;
	(tag) =	ssettag s2;
	_ =	strace s9  }
0x27: {  	s1 =	sld [smem:$0x3FAA]  }
0x28: {  	s2 =	sld [smem:$0x3FAB]  }
0x29: {  	s4 =	sld [smem:$0x3FAD]  }
0x2a: {  	p0 =	seq.s32 s5, $0x0;
	s5 =	sld [smem:$0x3FAE]  }
0x2b: {  	s6 =	sld [smem:$0x3FAF]  }
0x2c: {  	s7 =	sld [smem:$0x3FB0]  }
0x2d: {  	s3 =	simm.s32 $0x108;
	s8 =	sld [smem:$0x3FB1]  }
0x2e: {  	s3 =	simm.s32 @!p0 $0x1082;
	s9 =	sld [smem:$0x3FB2]  }
0x2f: {  	lr =	sadd.s32 s0, s3;
	s0 =	sld [smem:$0x3FA9]  }
0x30: {  	s3 =	sld [smem:$0x3FAC]  }
0x31: {  	[smem:$0x3FB5] =	sst s10  }
0x32: {  	s10 =	sld [smem:$0x3FB3];
	_ =	sdelay $0x3  }
0x33: {  	p0 =	seq.s32 s10, $0x1;
	s10 =	sld [smem:$0x3FB5];
	_ =	sdelay $0x3  }
0x34: {  	[smem:$0x3FB5] =	sst s10  }
0x35: {  	s10 =	sld [smem:$0x3FB4];
	_ =	sdelay $0x3  }
0x36: {  	p1 =	seq.s32 s10, $0x1;
	s10 =	sld [smem:$0x3FB5];
	_ =	sdelay $0x3  }
0x37: {  	[smem:$0x3FB5] =	sst s10  }
0x38: {  	s10 =	sld [smem:$0x3FB6]  }
0x39: {  	_ = 	snop;
	(pc) =	sbr.ind lr, $3  }
0x3a: {  	_ = 	snop  }
0x3b: {  	_ = 	snop  }
0x3c: {  	p2 =	seq.s32 s10, $0x1;
	s10 =	sld [smem:$0x3FB5]  }
0x3d: {  	_ =	shalt  }
0x3e: {  	_ =	shalt  }
0x3f: {  	_ =	shalt  }
0x40: {  	_ =	shalt  }
0x41: {  	_ =	shalt  }
0x42: {  	_ =	shalt  }
0x43: {  	_ =	shalt  }
0x44: {  	_ =	shalt  }
0x45: {  	_ =	shalt  }
0x46: {  	_ =	shalt  }
0x47: {  	_ =	shalt  }
0x48: {  	_ =	shalt  }
0x49: {  	_ =	shalt  }
0x4a: {  	_ =	shalt  }
0x4b: {  	_ =	shalt  }
0x4c: {  	_ =	shalt  }
0x4d: {  	_ =	shalt  }
0x4e: {  	_ =	shalt  }
0x4f: {  	_ =	shalt  }
0x50: {  	_ =	shalt  }
0x51: {  	_ =	shalt  }
0x52: {  	_ =	shalt  }
0x53: {  	_ =	shalt  }
0x54: {  	_ =	shalt  }
0x55: {  	_ =	shalt  }
0x56: {  	_ =	shalt  }
0x57: {  	_ =	shalt  }
0x58: {  	_ =	shalt  }
0x59: {  	_ =	shalt  }
0x5a: {  	_ =	shalt  }
0x5b: {  	_ =	shalt  }
0x5c: {  	_ =	shalt  }
0x5d: {  	_ =	shalt  }
0x5e: {  	_ =	shalt  }
0x5f: {  	_ =	shalt  }
0x60: {  	_ =	shalt  }
0x61: {  	_ =	shalt  }
0x62: {  	_ =	shalt  }
0x63: {  	_ =	shalt  }
0x64: {  	_ =	shalt  }
0x65: {  	_ =	shalt  }
0x66: {  	_ =	shalt  }
0x67: {  	_ =	shalt  }
0x68: {  	_ =	shalt  }
0x69: {  	_ =	shalt  }
0x6a: {  	_ =	shalt  }
0x6b: {  	_ =	shalt  }
0x6c: {  	_ =	shalt  }
0x6d: {  	_ =	shalt  }
0x6e: {  	_ =	shalt  }
0x6f: {  	_ =	shalt  }
0x70: {  	_ =	shalt  }
0x71: {  	_ =	shalt  }
0x72: {  	_ =	shalt  }
0x73: {  	_ =	shalt  }
0x74: {  	_ =	shalt  }
0x75: {  	_ =	shalt  }
0x76: {  	_ =	shalt  }
0x77: {  	_ =	shalt  }
0x78: {  	_ =	shalt  }
0x79: {  	_ =	shalt  }
0x7a: {  	_ =	shalt  }
0x7b: {  	_ =	shalt  }
0x7c: {  	_ =	shalt  }
0x7d: {  	_ =	shalt  }
0x7e: {  	_ =	shalt  }
0x7f: {  	_ =	shalt  }
0x80: {  	_ =	shalt  }
0x81: {  	_ =	shalt  }
0x82: {  	_ =	shalt  }
0x83: {  	_ =	shalt  }
0x84: {  	_ =	shalt  }
0x85: {  	_ =	shalt  }
0x86: {  	_ =	shalt  }
0x87: {  	_ =	shalt  }
.Lfunc_end0:
.L_simem_size_0:
called_computation_lowered:
.L_overlay_start_0:
0x88: {  	s2 =	sld [smem:$0x3FD9]  }
0x89: {  	s3 =	sld [smem:$0x3FFE];
	_ =	sdelay $0x1  }
0x8a: {  	s1 =	srdreg.scid  }
0x8b: {  	s0 =	sand.u32 $0x1, s1  }
0x8c: {  	s17 =	sshll.u32 s0, $0xA;
	s2 =	sadd.s32 s3, s2  }
0x8d: {  	s2 =	sadd.s32 s2, s17  }
0x8e: {  	[smem:$0x3FC1] =	sst s2  }
0x8f: {  	_ = 	snop  }
0x90: {  	s2 =	sld [smem:$0x3FC8]  }
0x91: {  	s18 =	sld [smem:$0x3FD0];
	(tm) =	ssettm $0x1  }
0x92: {  	s4 =	sld [smem:$0x3FFB];
	_ =	sdelay $0x3  }
0x93: {  	_ =	strace s4  }
0x94: {  	s4 =	sld [smem:$0x3FFC];
	_ =	sdelay $0x3  }
0x95: {  	_ =	strace s4  }
0x96: {  	s4 =	sld [smem:$0x3FFD];
	_ =	sdelay $0x3  }
0x97: {  	_ =	strace s4  }
0x98: {  	_ =	strace $0x8FFFFFFF  }
0x99: {  	s19 =	sld [smem:$0x3FDB];
	_ =	sdelay $0x1  }
0x9a: {  	s5 =	simm.s32 $_scs_section_size  }
0x9b: {  	s6 =	simm.s32 $_size__tile_overlayer_lowered;
	s7 =	simm.s32 $_tile_overlayer_lowered  }
0x9c: {  	s22 =	simm.s32 $0x1BFF;
	s21 =	sshll.u32 s7, $0x1;
	s4 =	sadd.s32 s5, s19  }
0x9d: {  	s8 =	simm.s32 $0x0;
	s20 =	sshll.u32 s6, $0x1;
	s6 =	sadd.s32 s21, s4  }
0x9e: {  	[timem:s8], [sflag:s22] =	dma.local [hbm:s6], s20  }
0x9f: {  	_ =	swait.ge [sflag:s22], s20  }
0xa0: {  	s5 =	ssub.s32 $0x0, s20;
	[sflag:s22] =	ssyncset.done $0x0  }
0xa1: {  	[sflag:s22] =	ssyncadd.s32 s5;
	_ =	sdelay $0x1  }
0xa2: {  	s23 =	simm.s32 $0x1B8B  }
0xa3: {  	_ =	swait.ge [sflag:s23], $0x1  }
0xa4: {  	[sflag:s23] =	ssyncset.done $0x0  }
0xa5: {  	s25 =	simm.s32 $0x1B8E;
	s24 =	sld [smem:$0x3FFE];
	[sflag:s23] =	ssyncadd.s32 $0xFFFFFFFF  }
0xa6: {  	s26 =	simm.s32 $execute0_lowered;
	[smem:$0x3FD2] =	sst s25  }
0xa7: {  	s6 =	sshll.u32 s26, $0x1;
	_ =	strace $0x80000046;
	[dreg:$0x1] =	wrdreg $0xFFFFFFFF  }
0xa8: {  	s28 =	simm.s32 $_size_execute0_lowered;
	s4 =	sadd.s32 s4, s6;
	[dreg:$0x0] =	wrdreg $0x0  }
0xa9: {  	s6 =	sshll.u32 s28, $0x1;
	[dreg:$0x2] =	wrdreg s4  }
0xaa: {  	[dreg:$0x3] =	wrdreg s6  }
0xab: {  	[dreg:$0x4] =	wrdreg $0xC0  }
0xac: {  	_ =	task [dreg:s8], $0x5FFFF  }
0xad: {  	[dreg:$0x1] =	wrdreg $0xFFFFFFFF  }
0xae: {  	[dreg:$0x0] =	wrdreg $0x60  }
0xaf: {  	[dreg:$0x2] =	wrdreg s2  }
0xb0: {  	[dreg:$0x3] =	wrdreg s18  }
0xb1: {  	[dreg:$0x4] =	wrdreg s24  }
0xb2: {  	[dreg:$0x5] =	wrdreg $0xB8000  }
0xb3: {  	[dreg:$0x6] =	wrdreg $0x9  }
0xb4: {  	_ =	task.clear_ibuf [dreg:s8], $0x7FFFF;
	_ =	strace $0x90000046  }
0xb5: {  	s29 =	simm.s32 $0x9;
	_ =	strace $0x80000048  }
0xb6: {  	_ =	swait.ge [sflag:s29], $0x1  }
0xb7: {  	[sflag:s29] =	ssyncadd.s32 $0xFFFFFFFF  }
0xb8: {  	_ =	strace $0x90000048  }
0xb9: {  	_ =	sfence  }
0xba: {  	s30 =	sld [smem:$0x0];
	_ =	sdelay $0x2  }
0xbb: {  	s31 =	sshll.u32 s1, $0xD;
	s1 =	sshrl.u32 s1, $0x2  }
0xbc: {  	s3 =	sand.u32 $0x4000, s31;
	s1 =	sadd.s32 s1, s30  }
0xbd: {  	s0 =	sor.u32 s3, s0;
	s1 =	sshll.u32 s1, $0x11  }
0xbe: {  	s0 =	sor.u32 s1, s0  }
0xbf: {  	s0 =	sadd.s32 $0x8F2B, s0  }
0xc0: {  	[sflag:s0] =	ssyncadd.remote.s32 $0x1  }
0xc1: {  	_ =	sfence.sel $0xFFFF  }
0xc2: {  	[dreg:$0x0] =	wrdreg $0xFFFFFFFF;
	(pc) =	sbr.abs _section_cstart, $3  }
0xc3: {  	[dreg:$0x1] =	wrdreg $0xFFFFFFFF  }
0xc4: {  	_ =	task.clear_ibuf [dreg:s8], $0x2FFFF;
	_ =	strace $0x9FFFFFFF  }
0xc5: {  	(tm) =	ssettm $0x7FFFFFFF  }
tec
execute0_lowered:
.L_overlay_start_1:
0x0: {  	(tag) =	ssettag $0x1  }
0x1: {  	s0 =	rddreg [dreg:$0x0]  }
0x2: {  	s2 =	rddreg [dreg:$0x1]  }
0x3: {  	s4 =	rddreg [dreg:$0x2]  }
0x4: {  	s1 =	rddreg [dreg:$0x3];
	s16 =	stileid.u32  }
0x5: {  	s3 =	srdreg.scid;
	s28 =	simm.s32 $0x2;
	s7 =	smul.u32 $0x14000, s16  }
0x6: {  	s29 =	simm.s32 $0x3;
	s30 =	simm.s32 $0x5;
	s10 =	smul.u32 $0x50000, s16  }
0x7: {  	s5 =	sand.u32 $0x1, s3;
	s3 =	simm.s32 $0x0;
	s26 =	smul.u32 $0x27100, s16  }
0x8: {  	s31 =	simm.s32 $0x6;
	s6 =	smul.u32 $0x140000, s5;
	[smem:$0x7FF] =	sst s3  }
0x9: {  	s8 =	sshll.u32 s5, $0x4;
	s18 =	ssub.s32 $0x2, s5;
	s5 =	smul.u32 $0x271000, s5  }
0xa: {  	_ =	strace $0x80000047;
	s12 =	sor.u32 s16, s8;
	s9 =	sshrl.u32 s18, $0x1  }
0xb: {  	s21 =	sshrl.u32 s10, $0x2;
	s6 =	sadd.s32 s7, s6;
	s8 =	smul.u32 $0x138800, s12  }
0xc: {  	s7 =	ssub.s32 s18, s9;
	s20 =	sshll.u32 s12, $0xB;
	s25 =	smul.u32 $0x27100, s12  }
0xd: {  	s6 =	sshrl.u32 s6, $0x3;
	s2 =	sadd.s32 s2, s20;
	s20 =	simm.s32 $0x6800  }
0xe: {  	s4 =	sadd.s32 s6, s4;
	s19 =	sshrl.u32 s8, $0x3;
	[dreg:$0x6] =	wrdreg s2  }
0xf: {  	s6 =	sadd.s32 s21, s1;
	s15 =	sadd.s32 s0, s25;
	s21 =	simm.s32 $0x9000  }
0x10: {  	s25 =	simm.s32 $0x1;
	s2 =	simm.s32 $0x0;
	s17 =	sadd.s32 s0, s19  }
0x11: {  	s24 =	sadd.s32 $0x2800, s6;
	s9 =	sadd.s32 $0x5000, s6;
	s10 =	sadd.s32 $0x7800, s6  }
0x12: {  	s11 =	sadd.s32 $0xA000, s6;
	s12 =	sadd.s32 $0xC800, s6;
	s13 =	sadd.s32 $0xF000, s6  }
0x13: {  	s14 =	sadd.s32 $0x11800, s6;
	s0 =	sadd.s32 s5, s0;
	s18 =	sadd.s32 $0xC00, s4  }
0x14: {  	s19 =	smax.u32 s7, $0x1;
	s22 =	sadd.s32 $0x500, s17;
	[dreg:$0x9] =	wrdreg s24  }
0x15: {  	s23 =	sadd.s32 $0xA00, s17;
	s16 =	sadd.s32 $0x26700, s17;
	[dreg:$0x7] =	wrdreg s22  }
0x16: {  	s17 =	sadd.s32 $0x26C00, s17;
	s0 =	sadd.s32 s26, s0;
	[dreg:$0x8] =	wrdreg s23  }
0x17: {  	s24 =	simm.s32 $0x7;
	s26 =	simm.s32 $0x50;
	[dreg:$0x5] =	wrdreg s0  }
0x18: {  	v0 =	vimm.f32 $0.0e+00;
	s22 =	simm.s32 $0x4000;
	s23 =	simm.s32 $0x4;
	s0 =	simm.s32 $0x8  }
.LBB2_1:
0x19: {  	s4 =	rddreg [dreg:$0x6]  }
0x1a: {  	[tilespmem:s3], [sflag:$0x7] =	stream.linear.gather [hbm4b:s4+s3], $0x3E80, $0x38;
	[tilespmem:$0x1F800] =	vst v63  }
0x1b: {  	s7 =	rddreg [dreg:$0x7]  }
0x1c: {  	[tilespmem:s20], [sflag:$0x2] =	stream.linear.gather [hbm4b:s7+s3], $0x2800, $0x38;
	[tilespmem:$0x1F800] =	vst v63  }
0x1d: {  	s8 =	rddreg [dreg:$0x8];
	s5 =	simm.s32 $0x200;
	s4 =	simm.s32 $0x0  }
0x1e: {  	[tilespmem:s21], [sflag:$0x3] =	stream.linear.gather [hbm4b:s8+s3], $0x2800, $0x38;
	[tilespmem:$0x1F800] =	vst v63  }
.LBB2_2:
0x1f: {  	p0 =	sne.s32 s5, $0x9E00;
	[tilespmem:s4+$0x4070] =	vst v0  }
0x20: {  	[tilespmem:s4+$0x4000] =	vst v0  }
0x21: {  	[tilespmem:s4+$0x4010] =	vst v0  }
.Ltmp0:
0x22: {  	[tilespmem:s4+$0x4020] =	vst v0;
	(pc) =	sbr.rel @p0 .LBB2_2-.Ltmp0, $4  }
0x23: {  	[tilespmem:s4+$0x4030] =	vst v0  }
0x24: {  	[tilespmem:s4+$0x4040] =	vst v0  }
0x25: {  	[tilespmem:s4+$0x4050] =	vst v0  }
0x26: {  	[tilespmem:s4+$0x4060] =	vst v0;
	s4 =	sshra.s32 s5, $0x2;
	s5 =	sadd.s32 $0x200, s5  }
0x27: {  	[tilespmem:s4+$0x4070] =	vst v0  }
0x28: {  	[tilespmem:s4+$0x4000] =	vst v0  }
0x29: {  	[tilespmem:s4+$0x4010] =	vst v0  }
0x2a: {  	[tilespmem:s4+$0x4020] =	vst v0  }
0x2b: {  	[tilespmem:s4+$0x4030] =	vst v0  }
0x2c: {  	[tilespmem:s4+$0x4040] =	vst v0  }
0x2d: {  	[tilespmem:s4+$0x4050] =	vst v0  }
0x2e: {  	[tilespmem:s4+$0x4060] =	vst v0  }
0x2f: {  	[spmem:s6] =	stream.linear.scatter [tilespmem:s22], [sflag:$0x4], $0x2800, $0x38;
	[tilespmem:$0x1F800] =	vst v63  }
0x30: {  	s7 =	rddreg [dreg:$0x9]  }
0x31: {  	[spmem:s7] =	stream.linear.scatter [tilespmem:s22], [sflag:$0x4], $0x2800, $0x38;
	[tilespmem:$0x1F800] =	vst v63  }
0x32: {  	_ = 	snop  }
0x33: {  	[spmem:s9] =	stream.linear.scatter [tilespmem:s22], [sflag:$0x4], $0x2800, $0x38;
	[tilespmem:$0x1F800] =	vst v63  }
0x34: {  	_ = 	snop  }
0x35: {  	[spmem:s10] =	stream.linear.scatter [tilespmem:s22], [sflag:$0x4], $0x2800, $0x38;
	[tilespmem:$0x1F800] =	vst v63  }
0x36: {  	_ = 	snop  }
0x37: {  	[spmem:s11] =	stream.linear.scatter [tilespmem:s22], [sflag:$0x4], $0x2800, $0x38;
	[tilespmem:$0x1F800] =	vst v63  }
0x38: {  	_ = 	snop  }
0x39: {  	[spmem:s12] =	stream.linear.scatter [tilespmem:s22], [sflag:$0x4], $0x2800, $0x38;
	[tilespmem:$0x1F800] =	vst v63  }
0x3a: {  	_ = 	snop  }
0x3b: {  	[spmem:s13] =	stream.linear.scatter [tilespmem:s22], [sflag:$0x4], $0x2800, $0x38;
	[tilespmem:$0x1F800] =	vst v63  }
0x3c: {  	_ = 	snop  }
0x3d: {  	[spmem:s14] =	stream.linear.scatter [tilespmem:s22], [sflag:$0x4], $0x2800, $0x38;
	[tilespmem:$0x1F800] =	vst v63  }
0x3e: {  	_ =	swait.ge [sflag:s23], $0x2800  }
0x3f: {  	[sflag:s23] =	ssyncset.done $0x0  }
0x40: {  	[sflag:s23] =	ssyncadd.s32 $0xFFFFD800  }
0x41: {  	_ =	swait.ge [sflag:s23], $0x2800  }
0x42: {  	[sflag:s23] =	ssyncset.done $0x0  }
0x43: {  	[sflag:s23] =	ssyncadd.s32 $0xFFFFD800  }
0x44: {  	_ =	swait.ge [sflag:s23], $0x2800  }
0x45: {  	[sflag:s23] =	ssyncset.done $0x0  }
0x46: {  	[sflag:s23] =	ssyncadd.s32 $0xFFFFD800  }
0x47: {  	_ =	swait.ge [sflag:s23], $0x2800  }
0x48: {  	[sflag:s23] =	ssyncset.done $0x0  }
0x49: {  	[sflag:s23] =	ssyncadd.s32 $0xFFFFD800  }
0x4a: {  	_ =	swait.ge [sflag:s23], $0x2800  }
0x4b: {  	[sflag:s23] =	ssyncset.done $0x0  }
0x4c: {  	[sflag:s23] =	ssyncadd.s32 $0xFFFFD800  }
0x4d: {  	_ =	swait.ge [sflag:s23], $0x2800  }
0x4e: {  	[sflag:s23] =	ssyncset.done $0x0  }
0x4f: {  	[sflag:s23] =	ssyncadd.s32 $0xFFFFD800  }
0x50: {  	_ =	swait.ge [sflag:s23], $0x2800  }
0x51: {  	[sflag:s23] =	ssyncset.done $0x0  }
0x52: {  	[sflag:s23] =	ssyncadd.s32 $0xFFFFD800  }
0x53: {  	_ =	swait.ge [sflag:s23], $0x2800  }
0x54: {  	[sflag:s23] =	ssyncset.done $0x0  }
0x55: {  	s8 =	simm.s32 $0x0;
	[sflag:s23] =	ssyncadd.s32 $0xFFFFD800  }
0x56: {  	[tilespmem:s22], [sflag:$0x1] =	stream.linear.gather [hbm4b:s15+s8], $0x2800, $0x38;
	[tilespmem:$0x1F800] =	vst v63  }
0x57: {  	_ =	swait.ge [sflag:s24], $0x3E80  }
0x58: {  	[sflag:s24] =	ssyncset.done $0x0  }
0x59: {  	[sflag:s24] =	ssyncadd.s32 $0xFFFFC180  }
0x5a: {  	[bflag:$0x0] =	sbarrier.arrive $0xFFFF  }
0x5b: {  	_ =	swait.ge [sflag:s25], $0x2800  }
0x5c: {  	[sflag:s25] =	ssyncset.done $0x0  }
0x5d: {  	[sflag:s25] =	ssyncadd.s32 $0xFFFFD800  }
0x5e: {  	[spmem:s1] =	stream.indirect.scatter.add.f32 [tilespmem:s22], [sflag:$0x4], $0x80, s8, s26, $0xb8;
	[tilespmem:$0x1F800] =	vst v63  }
0x5f: {  	_ =	swait.ge [sflag:s28], $0x2800  }
0x60: {  	[sflag:s28] =	ssyncset.done $0x0  }
0x61: {  	s5 =	simm.s32 $0x80;
	[sflag:s28] =	ssyncadd.s32 $0xFFFFD800  }
0x62: {  	[spmem:s1] =	stream.indirect.scatter.add.f32 [tilespmem:s20], [sflag:$0x5], $0x80, s5, s26, $0xb8;
	[tilespmem:$0x1F800] =	vst v63  }
0x63: {  	_ =	swait.ge [sflag:s23], $0x2800  }
0x64: {  	s7 =	rddreg [dreg:$0x5]  }
0x65: {  	[sflag:s23] =	ssyncset.done $0x0;
	s5 =	sadd.s32 $0x0, s7  }
0x66: {  	[sflag:s23] =	ssyncadd.s32 $0xFFFFD800;
	s4 =	sadd.s32 $0xF00, s5  }
0x67: {  	[tilespmem:s22], [sflag:$0x1] =	stream.linear.gather [hbm4b:s4+s3], $0x2800, $0x38;
	[tilespmem:$0x1F800] =	vst v63  }
0x68: {  	_ =	swait.ge [sflag:s29], $0x2800  }
0x69: {  	[sflag:s29] =	ssyncset.done $0x0  }
0x6a: {  	s8 =	simm.s32 $0x100;
	[sflag:s29] =	ssyncadd.s32 $0xFFFFD800  }
0x6b: {  	[spmem:s1] =	stream.indirect.scatter.add.f32 [tilespmem:s21], [sflag:$0x6], $0x80, s8, s26, $0xb8;
	[tilespmem:$0x1F800] =	vst v63  }
0x6c: {  	_ =	swait.ge [sflag:s30], $0x2800  }
0x6d: {  	[sflag:s30] =	ssyncset.done $0x0  }
0x6e: {  	s7 =	sadd.s32 $0x1400, s5;
	[sflag:s30] =	ssyncadd.s32 $0xFFFFD800  }
0x6f: {  	[tilespmem:s20], [sflag:$0x2] =	stream.linear.gather [hbm4b:s7+s3], $0x2800, $0x38;
	[tilespmem:$0x1F800] =	vst v63  }
0x70: {  	_ =	swait.ge [sflag:s25], $0x2800  }
0x71: {  	[sflag:s25] =	ssyncset.done $0x0  }
0x72: {  	s8 =	simm.s32 $0x180;
	[sflag:s25] =	ssyncadd.s32 $0xFFFFD800  }
0x73: {  	[spmem:s1] =	stream.indirect.scatter.add.f32 [tilespmem:s22], [sflag:$0x4], $0x80, s8, s26, $0xb8;
	[tilespmem:$0x1F800] =	vst v63  }
0x74: {  	_ =	swait.ge [sflag:s31], $0x2800  }
0x75: {  	[sflag:s31] =	ssyncset.done $0x0  }
0x76: {  	s7 =	sadd.s32 $0x1900, s5;
	[sflag:s31] =	ssyncadd.s32 $0xFFFFD800  }
0x77: {  	[tilespmem:s21], [sflag:$0x3] =	stream.linear.gather [hbm4b:s7+s3], $0x2800, $0x38;
	[tilespmem:$0x1F800] =	vst v63  }
0x78: {  	_ =	swait.ge [sflag:s28], $0x2800  }
0x79: {  	[sflag:s28] =	ssyncset.done $0x0  }
0x7a: {  	s8 =	simm.s32 $0x200;
	[sflag:s28] =	ssyncadd.s32 $0xFFFFD800  }
0x7b: {  	[spmem:s1] =	stream.indirect.scatter.add.f32 [tilespmem:s20], [sflag:$0x5], $0x80, s8, s26, $0xb8;
	[tilespmem:$0x1F800] =	vst v63  }
0x7c: {  	_ =	swait.ge [sflag:s23], $0x2800  }
0x7d: {  	[sflag:s23] =	ssyncset.done $0x0  }
0x7e: {  	s7 =	sadd.s32 $0x1E00, s5;
	[sflag:s23] =	ssyncadd.s32 $0xFFFFD800  }
0x7f: {  	[tilespmem:s22], [sflag:$0x1] =	stream.linear.gather [hbm4b:s7+s3], $0x2800, $0x38;
	[tilespmem:$0x1F800] =	vst v63  }
0x80: {  	_ =	swait.ge [sflag:s29], $0x2800  }
0x81: {  	[sflag:s29] =	ssyncset.done $0x0  }
0x82: {  	s8 =	simm.s32 $0x280;
	[sflag:s29] =	ssyncadd.s32 $0xFFFFD800  }
0x83: {  	[spmem:s1] =	stream.indirect.scatter.add.f32 [tilespmem:s21], [sflag:$0x6], $0x80, s8, s26, $0xb8;
	[tilespmem:$0x1F800] =	vst v63  }
0x84: {  	_ =	swait.ge [sflag:s30], $0x2800  }
0x85: {  	[sflag:s30] =	ssyncset.done $0x0  }
0x86: {  	s7 =	sadd.s32 $0x2300, s5;
	[sflag:s30] =	ssyncadd.s32 $0xFFFFD800  }
0x87: {  	[tilespmem:s20], [sflag:$0x2] =	stream.linear.gather [hbm4b:s7+s3], $0x2800, $0x38;
	[tilespmem:$0x1F800] =	vst v63  }
0x88: {  	_ =	swait.ge [sflag:s25], $0x2800  }
0x89: {  	[sflag:s25] =	ssyncset.done $0x0  }
0x8a: {  	s8 =	simm.s32 $0x300;
	[sflag:s25] =	ssyncadd.s32 $0xFFFFD800  }
0x8b: {  	[spmem:s1] =	stream.indirect.scatter.add.f32 [tilespmem:s22], [sflag:$0x4], $0x80, s8, s26, $0xb8;
	[tilespmem:$0x1F800] =	vst v63  }
0x8c: {  	_ =	swait.ge [sflag:s31], $0x2800  }
0x8d: {  	[sflag:s31] =	ssyncset.done $0x0  }
0x8e: {  	s7 =	sadd.s32 $0x2800, s5;
	[sflag:s31] =	ssyncadd.s32 $0xFFFFD800  }
0x8f: {  	[tilespmem:s21], [sflag:$0x3] =	stream.linear.gather [hbm4b:s7+s3], $0x2800, $0x38;
	[tilespmem:$0x1F800] =	vst v63  }
0x90: {  	_ =	swait.ge [sflag:s28], $0x2800  }
0x91: {  	[sflag:s28] =	ssyncset.done $0x0  }
0x92: {  	s8 =	simm.s32 $0x380;
	[sflag:s28] =	ssyncadd.s32 $0xFFFFD800  }
0x93: {  	[spmem:s1] =	stream.indirect.scatter.add.f32 [tilespmem:s20], [sflag:$0x5], $0x80, s8, s26, $0xb8;
	[tilespmem:$0x1F800] =	vst v63  }
0x94: {  	_ =	swait.ge [sflag:s23], $0x2800  }
0x95: {  	[sflag:s23] =	ssyncset.done $0x0  }
0x96: {  	s7 =	sadd.s32 $0x2D00, s5;
	[sflag:s23] =	ssyncadd.s32 $0xFFFFD800  }
0x97: {  	[tilespmem:s22], [sflag:$0x1] =	stream.linear.gather [hbm4b:s7+s3], $0x2800, $0x38;
	[tilespmem:$0x1F800] =	vst v63  }
0x98: {  	_ =	swait.ge [sflag:s29], $0x2800  }
0x99: {  	[sflag:s29] =	ssyncset.done $0x0  }
0x9a: {  	s8 =	simm.s32 $0x400;
	[sflag:s29] =	ssyncadd.s32 $0xFFFFD800  }
0x9b: {  	[spmem:s1] =	stream.indirect.scatter.add.f32 [tilespmem:s21], [sflag:$0x6], $0x80, s8, s26, $0xb8;
	[tilespmem:$0x1F800] =	vst v63  }
0x9c: {  	_ =	swait.ge [sflag:s30], $0x2800  }
0x9d: {  	[sflag:s30] =	ssyncset.done $0x0  }
0x9e: {  	s7 =	sadd.s32 $0x3200, s5;
	[sflag:s30] =	ssyncadd.s32 $0xFFFFD800  }
0x9f: {  	[tilespmem:s20], [sflag:$0x2] =	stream.linear.gather [hbm4b:s7+s3], $0x2800, $0x38;
	[tilespmem:$0x1F800] =	vst v63  }
0xa0: {  	_ =	swait.ge [sflag:s25], $0x2800  }
0xa1: {  	[sflag:s25] =	ssyncset.done $0x0  }
0xa2: {  	s8 =	simm.s32 $0x480;
	[sflag:s25] =	ssyncadd.s32 $0xFFFFD800  }
0xa3: {  	[spmem:s1] =	stream.indirect.scatter.add.f32 [tilespmem:s22], [sflag:$0x4], $0x80, s8, s26, $0xb8;
	[tilespmem:$0x1F800] =	vst v63  }
0xa4: {  	_ =	swait.ge [sflag:s31], $0x2800  }
0xa5: {  	[sflag:s31] =	ssyncset.done $0x0  }
0xa6: {  	s7 =	sadd.s32 $0x3700, s5;
	[sflag:s31] =	ssyncadd.s32 $0xFFFFD800  }
0xa7: {  	[tilespmem:s21], [sflag:$0x3] =	stream.linear.gather [hbm4b:s7+s3], $0x2800, $0x38;
	[tilespmem:$0x1F800] =	vst v63  }
0xa8: {  	_ =	swait.ge [sflag:s28], $0x2800  }
0xa9: {  	[sflag:s28] =	ssyncset.done $0x0  }
0xaa: {  	s8 =	simm.s32 $0x500;
	[sflag:s28] =	ssyncadd.s32 $0xFFFFD800  }
0xab: {  	[spmem:s1] =	stream.indirect.scatter.add.f32 [tilespmem:s20], [sflag:$0x5], $0x80, s8, s26, $0xb8;
	[tilespmem:$0x1F800] =	vst v63  }
0xac: {  	_ =	swait.ge [sflag:s23], $0x2800  }
0xad: {  	[sflag:s23] =	ssyncset.done $0x0  }
0xae: {  	s7 =	sadd.s32 $0x3C00, s5;
	[sflag:s23] =	ssyncadd.s32 $0xFFFFD800  }
0xaf: {  	[tilespmem:s22], [sflag:$0x1] =	stream.linear.gather [hbm4b:s7+s3], $0x2800, $0x38;
	[tilespmem:$0x1F800] =	vst v63  }
0xb0: {  	_ =	swait.ge [sflag:s29], $0x2800  }
0xb1: {  	[sflag:s29] =	ssyncset.done $0x0  }
0xb2: {  	s8 =	simm.s32 $0x580;
	[sflag:s29] =	ssyncadd.s32 $0xFFFFD800  }
0xb3: {  	[spmem:s1] =	stream.indirect.scatter.add.f32 [tilespmem:s21], [sflag:$0x6], $0x80, s8, s26, $0xb8;
	[tilespmem:$0x1F800] =	vst v63  }
0xb4: {  	_ =	swait.ge [sflag:s30], $0x2800  }
0xb5: {  	[sflag:s30] =	ssyncset.done $0x0  }
0xb6: {  	s7 =	sadd.s32 $0x4100, s5;
	[sflag:s30] =	ssyncadd.s32 $0xFFFFD800  }
0xb7: {  	[tilespmem:s20], [sflag:$0x2] =	stream.linear.gather [hbm4b:s7+s3], $0x2800, $0x38;
	[tilespmem:$0x1F800] =	vst v63  }
0xb8: {  	_ =	swait.ge [sflag:s25], $0x2800  }
0xb9: {  	[sflag:s25] =	ssyncset.done $0x0  }
0xba: {  	s8 =	simm.s32 $0x600;
	[sflag:s25] =	ssyncadd.s32 $0xFFFFD800  }
0xbb: {  	[spmem:s1] =	stream.indirect.scatter.add.f32 [tilespmem:s22], [sflag:$0x4], $0x80, s8, s26, $0xb8;
	[tilespmem:$0x1F800] =	vst v63  }
0xbc: {  	_ =	swait.ge [sflag:s31], $0x2800  }
0xbd: {  	s4 =	simm.s32 $0x3C00;
	[sflag:s31] =	ssyncset.done $0x0  }
0xbe: {  	s7 =	sadd.s32 $0x4600, s5;
	s5 =	simm.s32 $0xC00;
	[sflag:s31] =	ssyncadd.s32 $0xFFFFD800  }
.LBB2_4:
0xbf: {  	[tilespmem:s21], [sflag:$0x3] =	stream.linear.gather [hbm4b:s7+s3], $0x2800, $0x38;
	[tilespmem:$0x1F800] =	vst v63  }
0xc0: {  	_ =	swait.ge [sflag:s28], $0x2800  }
0xc1: {  	[sflag:s28] =	ssyncset.done $0x0  }
0xc2: {  	s8 =	sadd.s32 $0xFFFFFA80, s5;
	[sflag:s28] =	ssyncadd.s32 $0xFFFFD800  }
0xc3: {  	[spmem:s1] =	stream.indirect.scatter.add.f32 [tilespmem:s20], [sflag:$0x5], $0x80, s8, s26, $0xb8;
	[tilespmem:$0x1F800] =	vst v63  }
0xc4: {  	_ =	swait.ge [sflag:s23], $0x2800  }
0xc5: {  	s7 =	smov.u32 s4;
	s8 =	rddreg [dreg:$0x5]  }
0xc6: {  	[sflag:s23] =	ssyncset.done $0x0;
	s7 =	sadd.s32 s7, s8  }
0xc7: {  	[sflag:s23] =	ssyncadd.s32 $0xFFFFD800;
	s8 =	sadd.s32 $0xF00, s7  }
0xc8: {  	[tilespmem:s22], [sflag:$0x1] =	stream.linear.gather [hbm4b:s8+s3], $0x2800, $0x38;
	[tilespmem:$0x1F800] =	vst v63  }
0xc9: {  	_ =	swait.ge [sflag:s29], $0x2800  }
0xca: {  	[sflag:s29] =	ssyncset.done $0x0  }
0xcb: {  	s8 =	sadd.s32 $0xFFFFFB00, s5;
	[sflag:s29] =	ssyncadd.s32 $0xFFFFD800  }
0xcc: {  	[spmem:s1] =	stream.indirect.scatter.add.f32 [tilespmem:s21], [sflag:$0x6], $0x80, s8, s26, $0xb8;
	[tilespmem:$0x1F800] =	vst v63  }
0xcd: {  	_ =	swait.ge [sflag:s30], $0x2800  }
0xce: {  	[sflag:s30] =	ssyncset.done $0x0  }
0xcf: {  	s8 =	sadd.s32 $0x1400, s7;
	[sflag:s30] =	ssyncadd.s32 $0xFFFFD800  }
0xd0: {  	[tilespmem:s20], [sflag:$0x2] =	stream.linear.gather [hbm4b:s8+s3], $0x2800, $0x38;
	[tilespmem:$0x1F800] =	vst v63  }
0xd1: {  	_ =	swait.ge [sflag:s25], $0x2800  }
0xd2: {  	[sflag:s25] =	ssyncset.done $0x0  }
0xd3: {  	s8 =	sadd.s32 $0xFFFFFB80, s5;
	[sflag:s25] =	ssyncadd.s32 $0xFFFFD800  }
0xd4: {  	[spmem:s1] =	stream.indirect.scatter.add.f32 [tilespmem:s22], [sflag:$0x4], $0x80, s8, s26, $0xb8;
	[tilespmem:$0x1F800] =	vst v63  }
0xd5: {  	_ =	swait.ge [sflag:s31], $0x2800  }
0xd6: {  	[sflag:s31] =	ssyncset.done $0x0  }
0xd7: {  	s8 =	sadd.s32 $0x1900, s7;
	[sflag:s31] =	ssyncadd.s32 $0xFFFFD800  }
0xd8: {  	[tilespmem:s21], [sflag:$0x3] =	stream.linear.gather [hbm4b:s8+s3], $0x2800, $0x38;
	[tilespmem:$0x1F800] =	vst v63  }
0xd9: {  	_ =	swait.ge [sflag:s28], $0x2800  }
0xda: {  	[sflag:s28] =	ssyncset.done $0x0  }
0xdb: {  	s8 =	sadd.s32 $0xFFFFFC00, s5;
	[sflag:s28] =	ssyncadd.s32 $0xFFFFD800  }
0xdc: {  	[spmem:s1] =	stream.indirect.scatter.add.f32 [tilespmem:s20], [sflag:$0x5], $0x80, s8, s26, $0xb8;
	[tilespmem:$0x1F800] =	vst v63  }
0xdd: {  	_ =	swait.ge [sflag:s23], $0x2800  }
0xde: {  	[sflag:s23] =	ssyncset.done $0x0  }
0xdf: {  	s8 =	sadd.s32 $0x1E00, s7;
	[sflag:s23] =	ssyncadd.s32 $0xFFFFD800  }
0xe0: {  	[tilespmem:s22], [sflag:$0x1] =	stream.linear.gather [hbm4b:s8+s3], $0x2800, $0x38;
	[tilespmem:$0x1F800] =	vst v63  }
0xe1: {  	_ =	swait.ge [sflag:s29], $0x2800  }
0xe2: {  	[sflag:s29] =	ssyncset.done $0x0  }
0xe3: {  	s8 =	sadd.s32 $0xFFFFFC80, s5;
	[sflag:s29] =	ssyncadd.s32 $0xFFFFD800  }
0xe4: {  	[spmem:s1] =	stream.indirect.scatter.add.f32 [tilespmem:s21], [sflag:$0x6], $0x80, s8, s26, $0xb8;
	[tilespmem:$0x1F800] =	vst v63  }
0xe5: {  	_ =	swait.ge [sflag:s30], $0x2800  }
0xe6: {  	[sflag:s30] =	ssyncset.done $0x0  }
0xe7: {  	s8 =	sadd.s32 $0x2300, s7;
	[sflag:s30] =	ssyncadd.s32 $0xFFFFD800  }
0xe8: {  	[tilespmem:s20], [sflag:$0x2] =	stream.linear.gather [hbm4b:s8+s3], $0x2800, $0x38;
	[tilespmem:$0x1F800] =	vst v63  }
0xe9: {  	_ =	swait.ge [sflag:s25], $0x2800  }
0xea: {  	[sflag:s25] =	ssyncset.done $0x0  }
0xeb: {  	s8 =	sadd.s32 $0xFFFFFD00, s5;
	[sflag:s25] =	ssyncadd.s32 $0xFFFFD800  }
0xec: {  	[spmem:s1] =	stream.indirect.scatter.add.f32 [tilespmem:s22], [sflag:$0x4], $0x80, s8, s26, $0xb8;
	[tilespmem:$0x1F800] =	vst v63  }
0xed: {  	_ =	swait.ge [sflag:s31], $0x2800  }
0xee: {  	[sflag:s31] =	ssyncset.done $0x0  }
0xef: {  	s8 =	sadd.s32 $0x2800, s7;
	[sflag:s31] =	ssyncadd.s32 $0xFFFFD800  }
0xf0: {  	[tilespmem:s21], [sflag:$0x3] =	stream.linear.gather [hbm4b:s8+s3], $0x2800, $0x38;
	[tilespmem:$0x1F800] =	vst v63  }
0xf1: {  	_ =	swait.ge [sflag:s28], $0x2800  }
0xf2: {  	[sflag:s28] =	ssyncset.done $0x0  }
0xf3: {  	s8 =	sadd.s32 $0xFFFFFD80, s5;
	[sflag:s28] =	ssyncadd.s32 $0xFFFFD800  }
0xf4: {  	[spmem:s1] =	stream.indirect.scatter.add.f32 [tilespmem:s20], [sflag:$0x5], $0x80, s8, s26, $0xb8;
	[tilespmem:$0x1F800] =	vst v63  }
0xf5: {  	_ =	swait.ge [sflag:s23], $0x2800  }
0xf6: {  	[sflag:s23] =	ssyncset.done $0x0  }
0xf7: {  	s8 =	sadd.s32 $0x2D00, s7;
	[sflag:s23] =	ssyncadd.s32 $0xFFFFD800  }
0xf8: {  	[tilespmem:s22], [sflag:$0x1] =	stream.linear.gather [hbm4b:s8+s3], $0x2800, $0x38;
	[tilespmem:$0x1F800] =	vst v63  }
0xf9: {  	_ =	swait.ge [sflag:s29], $0x2800  }
0xfa: {  	[sflag:s29] =	ssyncset.done $0x0  }
0xfb: {  	s8 =	sadd.s32 $0xFFFFFE00, s5;
	[sflag:s29] =	ssyncadd.s32 $0xFFFFD800  }
0xfc: {  	[spmem:s1] =	stream.indirect.scatter.add.f32 [tilespmem:s21], [sflag:$0x6], $0x80, s8, s26, $0xb8;
	[tilespmem:$0x1F800] =	vst v63  }
0xfd: {  	_ =	swait.ge [sflag:s30], $0x2800  }
0xfe: {  	[sflag:s30] =	ssyncset.done $0x0  }
0xff: {  	s8 =	sadd.s32 $0x3200, s7;
	[sflag:s30] =	ssyncadd.s32 $0xFFFFD800  }
0x100: {  	[tilespmem:s20], [sflag:$0x2] =	stream.linear.gather [hbm4b:s8+s3], $0x2800, $0x38;
	[tilespmem:$0x1F800] =	vst v63  }
0x101: {  	_ =	swait.ge [sflag:s25], $0x2800  }
0x102: {  	[sflag:s25] =	ssyncset.done $0x0  }
0x103: {  	s8 =	sadd.s32 $0xFFFFFE80, s5;
	[sflag:s25] =	ssyncadd.s32 $0xFFFFD800  }
0x104: {  	[spmem:s1] =	stream.indirect.scatter.add.f32 [tilespmem:s22], [sflag:$0x4], $0x80, s8, s26, $0xb8;
	[tilespmem:$0x1F800] =	vst v63  }
0x105: {  	_ =	swait.ge [sflag:s31], $0x2800  }
0x106: {  	[sflag:s31] =	ssyncset.done $0x0  }
0x107: {  	s8 =	sadd.s32 $0x3700, s7;
	[sflag:s31] =	ssyncadd.s32 $0xFFFFD800  }
0x108: {  	[tilespmem:s21], [sflag:$0x3] =	stream.linear.gather [hbm4b:s8+s3], $0x2800, $0x38;
	[tilespmem:$0x1F800] =	vst v63  }
0x109: {  	_ =	swait.ge [sflag:s28], $0x2800  }
0x10a: {  	[sflag:s28] =	ssyncset.done $0x0  }
0x10b: {  	s8 =	sadd.s32 $0xFFFFFF00, s5;
	[sflag:s28] =	ssyncadd.s32 $0xFFFFD800  }
0x10c: {  	[spmem:s1] =	stream.indirect.scatter.add.f32 [tilespmem:s20], [sflag:$0x5], $0x80, s8, s26, $0xb8;
	[tilespmem:$0x1F800] =	vst v63  }
0x10d: {  	_ =	swait.ge [sflag:s23], $0x2800  }
0x10e: {  	[sflag:s23] =	ssyncset.done $0x0  }
0x10f: {  	s8 =	sadd.s32 $0x3C00, s7;
	[sflag:s23] =	ssyncadd.s32 $0xFFFFD800  }
0x110: {  	[tilespmem:s22], [sflag:$0x1] =	stream.linear.gather [hbm4b:s8+s3], $0x2800, $0x38;
	[tilespmem:$0x1F800] =	vst v63  }
0x111: {  	_ =	swait.ge [sflag:s29], $0x2800  }
0x112: {  	[sflag:s29] =	ssyncset.done $0x0  }
0x113: {  	s8 =	sadd.s32 $0xFFFFFF80, s5;
	[sflag:s29] =	ssyncadd.s32 $0xFFFFD800  }
0x114: {  	[spmem:s1] =	stream.indirect.scatter.add.f32 [tilespmem:s21], [sflag:$0x6], $0x80, s8, s26, $0xb8;
	[tilespmem:$0x1F800] =	vst v63  }
0x115: {  	_ =	swait.ge [sflag:s30], $0x2800  }
0x116: {  	[sflag:s30] =	ssyncset.done $0x0  }
0x117: {  	s8 =	sadd.s32 $0x4100, s7;
	[sflag:s30] =	ssyncadd.s32 $0xFFFFD800  }
0x118: {  	[tilespmem:s20], [sflag:$0x2] =	stream.linear.gather [hbm4b:s8+s3], $0x2800, $0x38;
	[tilespmem:$0x1F800] =	vst v63  }
0x119: {  	_ =	swait.ge [sflag:s25], $0x2800  }
0x11a: {  	p0 =	sne.s32 s4, $0x21C00;
	[sflag:s25] =	ssyncset.done $0x0  }
.Ltmp1:
0x11b: {  	[sflag:s25] =	ssyncadd.s32 $0xFFFFD800;
	(pc) =	sbr.rel @p0 .LBB2_4-.Ltmp1, $4  }
0x11c: {  	[spmem:s1] =	stream.indirect.scatter.add.f32 [tilespmem:s22], [sflag:$0x4], $0x80, s5, s26, $0xb8;
	[tilespmem:$0x1F800] =	vst v63  }
0x11d: {  	_ =	swait.ge [sflag:s31], $0x2800  }
0x11e: {  	s4 =	sadd.s32 $0x3C00, s4;
	[sflag:s31] =	ssyncset.done $0x0  }
0x11f: {  	s7 =	sadd.s32 $0x4600, s7;
	s5 =	sadd.s32 $0x600, s5;
	[sflag:s31] =	ssyncadd.s32 $0xFFFFD800  }
0x120: {  	[tilespmem:s21], [sflag:$0x3] =	stream.linear.gather [hbm4b:s7+s3], $0x2800, $0x38;
	[tilespmem:$0x1F800] =	vst v63  }
0x121: {  	_ =	swait.ge [sflag:s28], $0x2800  }
0x122: {  	[sflag:s28] =	ssyncset.done $0x0  }
0x123: {  	s4 =	simm.s32 $0x3C80;
	[sflag:s28] =	ssyncadd.s32 $0xFFFFD800  }
0x124: {  	[spmem:s1] =	stream.indirect.scatter.add.f32 [tilespmem:s20], [sflag:$0x5], $0x80, s4, s26, $0xb8;
	[tilespmem:$0x1F800] =	vst v63  }
0x125: {  	_ =	swait.ge [sflag:s23], $0x2800  }
0x126: {  	[sflag:s23] =	ssyncset.done $0x0  }
0x127: {  	[sflag:s23] =	ssyncadd.s32 $0xFFFFD800  }
0x128: {  	[tilespmem:s22], [sflag:$0x1] =	stream.linear.gather [hbm4b:s16+s3], $0x2800, $0x38;
	[tilespmem:$0x1F800] =	vst v63  }
0x129: {  	_ =	swait.ge [sflag:s29], $0x2800  }
0x12a: {  	[sflag:s29] =	ssyncset.done $0x0  }
0x12b: {  	s8 =	simm.s32 $0x3D00;
	[sflag:s29] =	ssyncadd.s32 $0xFFFFD800  }
0x12c: {  	[spmem:s1] =	stream.indirect.scatter.add.f32 [tilespmem:s21], [sflag:$0x6], $0x80, s8, s26, $0xb8;
	[tilespmem:$0x1F800] =	vst v63  }
0x12d: {  	_ =	swait.ge [sflag:s30], $0x2800  }
0x12e: {  	[sflag:s30] =	ssyncset.done $0x0  }
0x12f: {  	[sflag:s30] =	ssyncadd.s32 $0xFFFFD800  }
0x130: {  	[tilespmem:s20], [sflag:$0x2] =	stream.linear.gather [hbm4b:s17+s3], $0x2800, $0x38;
	[tilespmem:$0x1F800] =	vst v63  }
0x131: {  	_ =	swait.ge [sflag:s25], $0x2800  }
0x132: {  	[sflag:s25] =	ssyncset.done $0x0  }
0x133: {  	s5 =	simm.s32 $0x3D80;
	[sflag:s25] =	ssyncadd.s32 $0xFFFFD800  }
0x134: {  	[spmem:s1] =	stream.indirect.scatter.add.f32 [tilespmem:s22], [sflag:$0x4], $0x80, s5, s26, $0xb8;
	[tilespmem:$0x1F800] =	vst v63  }
0x135: {  	_ =	swait.ge [sflag:s31], $0x2800  }
0x136: {  	[sflag:s31] =	ssyncset.done $0x0  }
0x137: {  	[sflag:s31] =	ssyncadd.s32 $0xFFFFD800  }
0x138: {  	_ =	swait.ge [sflag:s28], $0x2800  }
0x139: {  	[sflag:s28] =	ssyncset.done $0x0  }
0x13a: {  	s7 =	simm.s32 $0x3E00;
	[sflag:s28] =	ssyncadd.s32 $0xFFFFD800  }
0x13b: {  	[spmem:s1] =	stream.indirect.scatter.add.f32 [tilespmem:s20], [sflag:$0x5], $0x80, s7, s26, $0xb8;
	[tilespmem:$0x1F800] =	vst v63  }
0x13c: {  	_ =	swait.ge [sflag:s23], $0x2800  }
0x13d: {  	[sflag:s23] =	ssyncset.done $0x0  }
0x13e: {  	[sflag:s23] =	ssyncadd.s32 $0xFFFFD800  }
0x13f: {  	s8 =	stileid.u32;
	_ =	swait.ge [sflag:s30], $0x2800  }
0x140: {  	s2 =	sadd.s32 $0x1, s2;
	s4 =	sshll.u32 s8, $0x6;
	[sflag:s30] =	ssyncset.done $0x0  }
0x141: {  	p0 =	sne.s32 s2, s19;
	s4 =	sor.u32 $0x1C08, s4;
	[sflag:s30] =	ssyncadd.s32 $0xFFFFD800  }
.Ltmp2:
0x142: {  	s5 =	sshrl.u32 s6, $0x3;
	[bflag:$0x0] =	sbarrier.arrive $0xFFFF;
	(pc) =	sbr.rel @p0 .LBB2_1-.Ltmp2, $4  }
0x143: {  	[hbm:s18], [sflag:s4] =	dma.local [spmem:s5], $0x2800  }
0x144: {  	_ =	swait.ge [sflag:s0], $0x2800  }
0x145: {  	[sflag:s0] =	ssyncset.done $0x0  }
0x146: {  	[sflag:s0] =	ssyncadd.s32 $0xFFFFD800  }
0x147: {  	_ =	sfence.sel $0x180000  }
0x148: {  	[bflag:$0x0] =	sbarrier.arrive $0xFFFF  }
0x149: {  	_ =	strace $0x90000047  }
0x14a: {  	s0 =	stileid.u32;
	[bflag:$0x2] =	sbarrier.arrive $0xFFFF  }
0x14b: {  	p0 =	sne.s32 s0, $0x0;
	s0 =	rddreg [dreg:$0x4]  }
0x14c: {  	s0 =	sadd.s32 @!p0 $0x100000, s0  }
0x14d: {  	[sflag:s0] =	ssyncadd.tile.s32 @!p0 $0x1;
	_ =	shalt  }
.Lfunc_end2:
_tile_overlayer_lowered:
.L_overlay_start_2:
0x14e: {  	(tag) =	ssettag $0x2  }
0x14f: {  	s0 =	rddreg [dreg:$0x0];
	s2 =	stileid.u32  }
0x150: {  	s1 =	rddreg [dreg:$0x1];
	p0 =	sne.s32 s2, $0x0  }
0x151: {  	s3 =	rddreg [dreg:$0x2];
	[bflag:$0x3] =	sbarrier.arrive $0xFFFF;
	s2 =	simm.s32 @!p0 $0x1C08  }
0x152: {  	[timem:s3], [sflag:s2] =	dma.local @!p0 [hbm:s0], s1  }
0x153: {  	s0 =	simm.s32 @!p0 $0x8  }
0x154: {  	_ =	swait.ge @!p0 [sflag:s0], s1  }
0x155: {  	s1 =	ssub.s32 @!p0 $0x0, s1;
	[sflag:s0] =	ssyncset.done @!p0 $0x0  }
0x156: {  	[sflag:s0] =	ssyncadd.s32 @!p0 s1  }
0x157: {  	[bflag:$0x3] =	sbarrier.arrive $0xFFFF  }
0x158: {  	_ =	shalt  }

</sc_bundles>
